<compile_context>
chip_gen: v7x
topology: tpu7x:2x2x1
jax: 0.10.2.dev20260603
libtpu: 0.0.44.dev20260713+nightly
codegen_flags: <defaults>
</compile_context>

<pallas_src>
import functools

import jax
import jax.numpy as jnp
from jax import lax
from jax.experimental import pallas as pl
from jax.experimental.pallas import tpu as pltpu
from jax.experimental.pallas import tpu_sc as plsc

N = 10000
E = 160000
NC = 2
NS = 16
CH = 128
MCH = 128
NCH = 79
EPT = NCH * MCH
EPAD = NS * EPT
DEG_NCH = 40
DEG_EPT = DEG_NCH * CH
ACC_ROWS = 10240
ZROWS = 640
RB = 2000

_MESH = dict(core_axis_name="c", subcore_axis_name="s",
             num_cores=NC, num_subcores=NS)



@functools.cache
def _deg_kernel_build():
    return functools.partial(
        pl.kernel,
        out_type=jax.ShapeDtypeStruct((NC, ACC_ROWS, 128), jnp.float32),
        mesh=plsc.VectorSubcoreMesh(**_MESH),
        scratch_types=[
            pltpu.VMEM((DEG_NCH, CH), jnp.int32),
            pltpu.VMEM((CH, 128), jnp.float32),
            pltpu.VMEM_SHARED((ACC_ROWS, 128), jnp.float32),
        ],
    )(_deg_body)


def _deg_body(dst_hbm, ones_hbm, zeros_hbm, out_hbm, idx_v, ones_v, acc):
    core = lax.axis_index("c")
    sid = lax.axis_index("s")
    pltpu.sync_copy(dst_hbm.at[core, sid], idx_v)
    pltpu.sync_copy(ones_hbm, ones_v)
    pltpu.sync_copy(zeros_hbm, acc.at[pl.ds(sid * ZROWS, ZROWS)])
    plsc.subcore_barrier()

    def body(j, carry):
        pltpu.sync_copy(ones_v, acc.at[idx_v.at[j]], add=True)
        return carry

    lax.fori_loop(0, DEG_NCH, body, 0)
    plsc.subcore_barrier()
    pltpu.sync_copy(acc.at[pl.ds(sid * ZROWS, ZROWS)],
                    out_hbm.at[core, pl.ds(sid * ZROWS, ZROWS)])


@functools.cache
def _make_mp_kernel(n_tables):
    passes = n_tables // NC

    @functools.partial(
        pl.kernel,
        out_type=jax.ShapeDtypeStruct((n_tables * ACC_ROWS, 128), jnp.float32),
        mesh=plsc.VectorSubcoreMesh(**_MESH),
        scratch_types=[
            pltpu.VMEM((NCH, MCH), jnp.int32),
            pltpu.VMEM((NCH, MCH), jnp.int32),
            pltpu.VMEM((MCH, 128), jnp.float32),
            pltpu.SemaphoreType.DMA,
            pltpu.VMEM_SHARED((ACC_ROWS, 128), jnp.float32),
        ],
    )
    def mp(tab_hbm, src_hbm, dst_hbm, zeros_hbm, out_hbm,
           src_v, dst_v, buf, sem, acc):
        core = lax.axis_index("c")
        sid = lax.axis_index("s")
        pltpu.sync_copy(dst_hbm.at[sid], dst_v)
        for p in range(passes):
            c = core * passes + p
            pltpu.sync_copy(src_hbm.at[c, sid], src_v)
            pltpu.sync_copy(zeros_hbm, acc.at[pl.ds(sid * ZROWS, ZROWS)])
            plsc.subcore_barrier()

            def body(j, carry):
                pltpu.async_copy(tab_hbm.at[src_v.at[j]], buf, sem).wait()
                pltpu.sync_copy(buf, acc.at[dst_v.at[j]], add=True)
                return carry

            lax.fori_loop(0, NCH, body, 0)
            plsc.subcore_barrier()
            pltpu.sync_copy(acc.at[pl.ds(sid * ZROWS, ZROWS)],
                            out_hbm.at[pl.ds(c * ACC_ROWS + sid * ZROWS, ZROWS)])
            if p + 1 < passes:
                plsc.subcore_barrier()

    return mp



def _dinv_of(hist_ref):
    h = hist_ref[0, :, 0:1] + hist_ref[1, :, 0:1] + 1.0
    return lax.rsqrt(h)


def _y1_body(x_ref, w_ref, hist_ref, y_ref):
    dinv = _dinv_of(hist_ref)
    y_ref[0] = jnp.dot(x_ref[...], w_ref[...],
                       preferred_element_type=jnp.float32) * dinv


def _y2_body(acc_ref, y1_ref, hist_ref, b1_ref, w2_ref, y2_ref):
    dinv = _dinv_of(hist_ref)
    hw = jnp.zeros((RB, 256), jnp.float32)
    for c in range(4):
        hcol = jnp.maximum(
            dinv * (acc_ref[c] + y1_ref[c])
            + b1_ref[c * 128:(c + 1) * 128][None, :],
            0.0)
        hw = hw + jnp.dot(hcol, w2_ref[c * 128:(c + 1) * 128, :],
                          preferred_element_type=jnp.float32)
    y2 = dinv * hw
    y2_ref[0] = y2[:, :128]
    y2_ref[1] = y2[:, 128:]


def _out_body(acc_ref, y2_ref, hist_ref, b2_ref, o_ref):
    dinv = _dinv_of(hist_ref)
    o0 = dinv * (acc_ref[0] + y2_ref[0]) + b2_ref[0:128][None, :]
    o1 = dinv * (acc_ref[1] + y2_ref[1]) + b2_ref[128:256][None, :]
    o_ref[...] = jnp.concatenate([o0, o1], axis=1)


_y1_call = pl.pallas_call(
    _y1_body,
    grid=(4, N // RB),
    in_specs=[
        pl.BlockSpec((RB, 256), lambda c, i: (i, 0)),
        pl.BlockSpec((256, 128), lambda c, i: (0, c)),
        pl.BlockSpec((NC, RB, 128), lambda c, i: (0, i, 0)),
    ],
    out_specs=pl.BlockSpec((1, RB, 128), lambda c, i: (c, i, 0)),
    out_shape=jax.ShapeDtypeStruct((4, N, 128), jnp.float32),
)

_y2_call = pl.pallas_call(
    _y2_body,
    grid=(N // RB,),
    in_specs=[
        pl.BlockSpec((4, RB, 128), lambda i: (0, i, 0)),
        pl.BlockSpec((4, RB, 128), lambda i: (0, i, 0)),
        pl.BlockSpec((NC, RB, 128), lambda i: (0, i, 0)),
        pl.BlockSpec((512,), lambda i: (0,)),
        pl.BlockSpec((512, 256), lambda i: (0, 0)),
    ],
    out_specs=pl.BlockSpec((2, RB, 128), lambda i: (0, i, 0)),
    out_shape=jax.ShapeDtypeStruct((2, N, 128), jnp.float32),
)

_out_call = pl.pallas_call(
    _out_body,
    grid=(N // RB,),
    in_specs=[
        pl.BlockSpec((2, RB, 128), lambda i: (0, i, 0)),
        pl.BlockSpec((2, RB, 128), lambda i: (0, i, 0)),
        pl.BlockSpec((NC, RB, 128), lambda i: (0, i, 0)),
        pl.BlockSpec((256,), lambda i: (0,)),
    ],
    out_specs=pl.BlockSpec((RB, 256), lambda i: (i, 0)),
    out_shape=jax.ShapeDtypeStruct((N, 256), jnp.float32),
)



def kernel(x, edge_index, W1, b1, W2, b2):
    src = edge_index[0].astype(jnp.int32)
    dst = edge_index[1].astype(jnp.int32)

    pad_mp = EPAD - E
    trash_mp = N + jnp.arange(pad_mp, dtype=jnp.int32) % (ACC_ROWS - N)
    src_p = jnp.concatenate([src, jnp.zeros((pad_mp,), jnp.int32)])
    dst_p = jnp.concatenate([dst, trash_mp])
    dst_mp = dst_p.reshape(NS, NCH, MCH)
    src_t = src_p.reshape(NS, NCH, MCH)
    offs4 = (jnp.arange(4, dtype=jnp.int32) * N).reshape(4, 1, 1, 1)
    offs2 = (jnp.arange(2, dtype=jnp.int32) * N).reshape(2, 1, 1, 1)
    src_mp4 = src_t[None] + offs4
    src_mp2 = src_t[None] + offs2
    pad_deg = NC * NS * DEG_EPT - E
    trash_deg = N + jnp.arange(pad_deg, dtype=jnp.int32) % (ACC_ROWS - N)
    dst_deg = jnp.concatenate(
        [dst, trash_deg]).reshape(NC, NS, DEG_NCH, CH)

    zeros128 = jnp.zeros((ZROWS, 128), jnp.float32)
    ones128 = jnp.ones((CH, 128), jnp.float32)

    hist = _deg_kernel_build()(dst_deg, ones128, zeros128)

    y1 = _y1_call(x, W1, hist)
    acc1 = _make_mp_kernel(4)(y1.reshape(4 * N, 128), src_mp4, dst_mp, zeros128)
    y2 = _y2_call(acc1.reshape(4, ACC_ROWS, 128), y1, hist, b1, W2)
    acc2 = _make_mp_kernel(2)(y2.reshape(2 * N, 128), src_mp2, dst_mp, zeros128)
    out = _out_call(acc2.reshape(2, ACC_ROWS, 128), y2, hist, b2)
    return (out, out)

# --- scband reference (transcript-rebuilt; emitter-appended) ---
"""Pipeline reference for scband-gcn-18983755448624 (READ-ONLY COPY).

The authoritative reference and input builder live on the scoring server;
editing this copy changes nothing except your own understanding.
"""

import jax, jax.numpy as jnp
import numpy as np

N_NODES = 10000

def gcn_conv(x, src, dst, W, b):
    # PyG GCNConv: add self-loops, symmetric normalization, x@W, scatter-add, +bias
    num_nodes = x.shape[0]
    loop = jnp.arange(num_nodes, dtype=src.dtype)
    s = jnp.concatenate([src, loop])
    d = jnp.concatenate([dst, loop])
    deg = jnp.zeros((num_nodes,), dtype=x.dtype).at[d].add(1.0)
    deg_inv_sqrt = jnp.where(deg > 0, deg ** -0.5, 0.0)
    norm = deg_inv_sqrt[s] * deg_inv_sqrt[d]
    xw = x @ W
    msg = xw[s] * norm[:, None]
    out = jnp.zeros((num_nodes, W.shape[1]), dtype=xw.dtype).at[d].add(msg)
    return out + b

def setup_inputs(seed: int = 0) -> dict:
    key = jax.random.key(seed)
    k1, k2, k3, k4, k5, k6, k7 = jax.random.split(key, 7)
    x = jax.random.normal(k1, (N_NODES, 256), dtype=jnp.float32)
    edge_index = jax.random.randint(k2, (2, 160000), 0, N_NODES, dtype=jnp.int64)
    # reset_parameters() uses uniform_() on all params
    W1 = jax.random.uniform(k3, (256, 512), dtype=jnp.float32)
    b1 = jax.random.uniform(k4, (512,), dtype=jnp.float32)
    W2 = jax.random.uniform(k5, (512, 256), dtype=jnp.float32)
    b2 = jax.random.uniform(k6, (256,), dtype=jnp.float32)
    return {"x": x, "edge_index": edge_index, "W1": W1, "b1": b1, "W2": W2, "b2": b2}

def reference(x, edge_index, W1, b1, W2, b2):
    src, dst = edge_index[0], edge_index[1]
    h = gcn_conv(x, src, dst, W1, b1)
    h = jax.nn.relu(h)
    out = gcn_conv(h, src, dst, W2, b2)
    return (out, out)

if __name__ == "__main__":
    import jax
    _d = setup_inputs()
    print(jax.jit(kernel)(*tuple(_d.values())))

</pallas_src>

<mosaic_0001>
#map = affine_map<(d0, d1) -> (0, 0, 0, 0)>
#map1 = affine_map<(d0, d1) -> (0, 0)>
#map2 = affine_map<(d0, d1) -> (0, 0, 0)>
module attributes {stable_mosaic.version = 14 : i64} {
  func.func @_deg_body(%arg0: i32, %arg1: i32, %arg2: memref<2x16x40x128xi32, #tpu.memory_space<hbm>>, %arg3: memref<128x128xf32, #tpu.memory_space<hbm>>, %arg4: memref<640x128xf32, #tpu.memory_space<hbm>>, %arg5: memref<2x10240x128xf32, #tpu.memory_space<hbm>>, %arg6: memref<40x128xi32, #tpu.memory_space<vmem>>, %arg7: memref<128x128xf32, #tpu.memory_space<vmem>>, %arg8: memref<10240x128xf32, #tpu.memory_space<vmem_shared>>) attributes {dimension_semantics = [#tpu.dimension_semantics<core_parallel>, #tpu.dimension_semantics<subcore_parallel>], iteration_bounds = array<i64: 2, 16>, scalar_prefetch = 0 : i64, scratch_operands = 3 : i64, tpu.core_type = #tpu.core_type<sc_vector_subcore>, window_params = [{transform_indices = #map}, {transform_indices = #map1}, {transform_indices = #map1}, {transform_indices = #map2}]} {
    "tpu.region"() ({
      %run_scoped3A = tpu.sem_alloc : memref<!tpu.dma_semaphore, #tpu.memory_space<semaphore_mem>>
      %dma_start3A = arith.constant 0 : i32
      %dma_start3A_11 = arith.constant 0 : i32
      %dma_start3A_12 = tpu.memref_slice %arg2[%arg0, %arg1, %dma_start3A, %dma_start3A_11] : memref<2x16x40x128xi32, #tpu.memory_space<hbm>> -> memref<1x1x40x128xi32, #tpu.memory_space<hbm>>
      %dma_start3A_13 = tpu.memref_squeeze %dma_start3A_12 : memref<1x1x40x128xi32, #tpu.memory_space<hbm>> -> memref<40x128xi32, #tpu.memory_space<hbm>>
      %dma_start3A_14 = arith.constant 0 : i32
      %dma_start3A_15 = arith.constant 0 : i32
      %dma_start3A_16 = tpu.memref_slice %arg2[%arg0, %arg1, %dma_start3A_14, %dma_start3A_15] : memref<2x16x40x128xi32, #tpu.memory_space<hbm>> -> memref<1x1x40x128xi32, #tpu.memory_space<hbm>>
      %dma_start3A_17 = tpu.memref_squeeze %dma_start3A_16 : memref<1x1x40x128xi32, #tpu.memory_space<hbm>> -> memref<40x128xi32, #tpu.memory_space<hbm>>
      tpu.enqueue_dma source(%dma_start3A_17 : memref<40x128xi32, #tpu.memory_space<hbm>>) target(%arg6 : memref<40x128xi32, #tpu.memory_space<vmem>>) target_semaphore(%run_scoped3A : memref<!tpu.dma_semaphore, #tpu.memory_space<semaphore_mem>>)
      %dma_wait3A = arith.constant 0 : i32
      %dma_wait3A_18 = arith.constant 0 : i32
      %dma_wait3A_19 = tpu.memref_slice %arg2[%arg0, %arg1, %dma_wait3A, %dma_wait3A_18] : memref<2x16x40x128xi32, #tpu.memory_space<hbm>> -> memref<1x1x40x128xi32, #tpu.memory_space<hbm>>
      %dma_wait3A_20 = tpu.memref_squeeze %dma_wait3A_19 : memref<1x1x40x128xi32, #tpu.memory_space<hbm>> -> memref<40x128xi32, #tpu.memory_space<hbm>>
      %dma_wait3A_21 = arith.constant 0 : i32
      %dma_wait3A_22 = arith.constant 0 : i32
      %dma_wait3A_23 = tpu.memref_slice %arg2[%arg0, %arg1, %dma_wait3A_21, %dma_wait3A_22] : memref<2x16x40x128xi32, #tpu.memory_space<hbm>> -> memref<1x1x40x128xi32, #tpu.memory_space<hbm>>
      %dma_wait3A_24 = tpu.memref_squeeze %dma_wait3A_23 : memref<1x1x40x128xi32, #tpu.memory_space<hbm>> -> memref<40x128xi32, #tpu.memory_space<hbm>>
      tpu.wait_dma2 semaphore(%run_scoped3A : memref<!tpu.dma_semaphore, #tpu.memory_space<semaphore_mem>>) src(%dma_wait3A_24 : memref<40x128xi32, #tpu.memory_space<hbm>>) dst(%arg6 : memref<40x128xi32, #tpu.memory_space<vmem>>)
      tpu.yield
    }) : () -> ()
    "tpu.region"() ({
      %run_scoped3A = tpu.sem_alloc : memref<!tpu.dma_semaphore, #tpu.memory_space<semaphore_mem>>
      tpu.enqueue_dma source(%arg3 : memref<128x128xf32, #tpu.memory_space<hbm>>) target(%arg7 : memref<128x128xf32, #tpu.memory_space<vmem>>) target_semaphore(%run_scoped3A : memref<!tpu.dma_semaphore, #tpu.memory_space<semaphore_mem>>)
      tpu.wait_dma2 semaphore(%run_scoped3A : memref<!tpu.dma_semaphore, #tpu.memory_space<semaphore_mem>>) src(%arg3 : memref<128x128xf32, #tpu.memory_space<hbm>>) dst(%arg7 : memref<128x128xf32, #tpu.memory_space<vmem>>)
      tpu.yield
    }) : () -> ()
    %mul3A = arith.constant 640 : i32
    %mul3A_0 = arith.muli %arg1, %mul3A : i32
    "tpu.region"() ({
      %run_scoped3A = tpu.sem_alloc : memref<!tpu.dma_semaphore, #tpu.memory_space<semaphore_mem>>
      %dma_start3A = arith.constant 0 : i32
      %dma_start3A_11 = tpu.memref_slice %arg8[%mul3A_0, %dma_start3A] : memref<10240x128xf32, #tpu.memory_space<vmem_shared>> -> memref<640x128xf32, #tpu.memory_space<vmem_shared>>
      tpu.enqueue_dma source(%arg4 : memref<640x128xf32, #tpu.memory_space<hbm>>) target(%dma_start3A_11 : memref<640x128xf32, #tpu.memory_space<vmem_shared>>) target_semaphore(%run_scoped3A : memref<!tpu.dma_semaphore, #tpu.memory_space<semaphore_mem>>)
      %dma_wait3A = arith.constant 0 : i32
      %dma_wait3A_12 = tpu.memref_slice %arg8[%mul3A_0, %dma_wait3A] : memref<10240x128xf32, #tpu.memory_space<vmem_shared>> -> memref<640x128xf32, #tpu.memory_space<vmem_shared>>
      tpu.wait_dma2 semaphore(%run_scoped3A : memref<!tpu.dma_semaphore, #tpu.memory_space<semaphore_mem>>) src(%arg4 : memref<640x128xf32, #tpu.memory_space<hbm>>) dst(%dma_wait3A_12 : memref<640x128xf32, #tpu.memory_space<vmem_shared>>)
      tpu.yield
    }) : () -> ()
    %barrier3A = arith.constant 0 : index
    tpu.barrier barrier_id(%barrier3A)
    %scan3A = arith.constant 0 : i32
    %scan3A_1 = arith.constant 0 : i32
    %scan3A_2 = arith.constant 40 : i32
    %scan3A_3 = arith.addi %scan3A_1, %scan3A_2 : i32
    %scan3A_4 = arith.constant 1 : i32
    scf.for %scan3A_11 = %scan3A_1 to %scan3A_3 step %scan3A_4  : i32 {
      "tpu.region"() ({
        %run_scoped3A = tpu.sem_alloc : memref<!tpu.dma_semaphore, #tpu.memory_space<semaphore_mem>>
        %dma_start3A = arith.constant 0 : i32
        %dma_start3A_12 = tpu.memref_slice %arg6[%scan3A_11, %dma_start3A] : memref<40x128xi32, #tpu.memory_space<vmem>> -> memref<1x128xi32, #tpu.memory_space<vmem>>
        %dma_start3A_13 = tpu.memref_squeeze %dma_start3A_12 : memref<1x128xi32, #tpu.memory_space<vmem>> -> memref<128xi32, #tpu.memory_space<vmem>>
        %dma_start3A_14 = arith.constant 0 : i32
        %dma_start3A_15 = arith.constant 0 : i32
        %dma_start3A_16 = tpu.memref_slice %arg8[%dma_start3A_14, %dma_start3A_15] : memref<10240x128xf32, #tpu.memory_space<vmem_shared>> -> memref<10240x128xf32, #tpu.memory_space<vmem_shared>>
        tpu.enqueue_indirect_dma source(%arg7 : memref<128x128xf32, #tpu.memory_space<vmem>>) target(%dma_start3A_16 : memref<10240x128xf32, #tpu.memory_space<vmem_shared>>) offsets(%dma_start3A_13 : memref<128xi32, #tpu.memory_space<vmem>>) semaphore(%run_scoped3A : memref<!tpu.dma_semaphore, #tpu.memory_space<semaphore_mem>>) {add = true}
        %dma_wait3A = arith.constant 0 : i32
        %dma_wait3A_17 = tpu.memref_slice %arg6[%scan3A_11, %dma_wait3A] : memref<40x128xi32, #tpu.memory_space<vmem>> -> memref<1x128xi32, #tpu.memory_space<vmem>>
        %dma_wait3A_18 = tpu.memref_squeeze %dma_wait3A_17 : memref<1x128xi32, #tpu.memory_space<vmem>> -> memref<128xi32, #tpu.memory_space<vmem>>
        %dma_wait3A_19 = arith.constant 0 : i32
        %dma_wait3A_20 = arith.constant 0 : i32
        %dma_wait3A_21 = tpu.memref_slice %arg8[%dma_wait3A_19, %dma_wait3A_20] : memref<10240x128xf32, #tpu.memory_space<vmem_shared>> -> memref<10240x128xf32, #tpu.memory_space<vmem_shared>>
        tpu.wait_indirect_dma semaphore(%run_scoped3A : memref<!tpu.dma_semaphore, #tpu.memory_space<semaphore_mem>>) src(%arg7 : memref<128x128xf32, #tpu.memory_space<vmem>>) dst(%dma_wait3A_21 : memref<10240x128xf32, #tpu.memory_space<vmem_shared>>)
        tpu.yield
      }) : () -> ()
    }
    %scan3A_5 = arith.constant 40 : i32
    %barrier3A_6 = arith.constant 0 : index
    tpu.barrier barrier_id(%barrier3A_6)
    %mul3A_7 = arith.constant 640 : i32
    %mul3A_8 = arith.muli %arg1, %mul3A_7 : i32
    %mul3A_9 = arith.constant 640 : i32
    %mul3A_10 = arith.muli %arg1, %mul3A_9 : i32
    "tpu.region"() ({
      %run_scoped3A = tpu.sem_alloc : memref<!tpu.dma_semaphore, #tpu.memory_space<semaphore_mem>>
      %dma_start3A = arith.constant 0 : i32
      %dma_start3A_11 = tpu.memref_slice %arg5[%arg0, %mul3A_10, %dma_start3A] : memref<2x10240x128xf32, #tpu.memory_space<hbm>> -> memref<1x640x128xf32, #tpu.memory_space<hbm>>
      %dma_start3A_12 = tpu.memref_squeeze %dma_start3A_11 : memref<1x640x128xf32, #tpu.memory_space<hbm>> -> memref<640x128xf32, #tpu.memory_space<hbm>>
      %dma_start3A_13 = arith.constant 0 : i32
      %dma_start3A_14 = tpu.memref_slice %arg8[%mul3A_8, %dma_start3A_13] : memref<10240x128xf32, #tpu.memory_space<vmem_shared>> -> memref<640x128xf32, #tpu.memory_space<vmem_shared>>
      tpu.enqueue_dma source(%dma_start3A_14 : memref<640x128xf32, #tpu.memory_space<vmem_shared>>) target(%dma_start3A_12 : memref<640x128xf32, #tpu.memory_space<hbm>>) target_semaphore(%run_scoped3A : memref<!tpu.dma_semaphore, #tpu.memory_space<semaphore_mem>>)
      %dma_wait3A = arith.constant 0 : i32
      %dma_wait3A_15 = tpu.memref_slice %arg5[%arg0, %mul3A_10, %dma_wait3A] : memref<2x10240x128xf32, #tpu.memory_space<hbm>> -> memref<1x640x128xf32, #tpu.memory_space<hbm>>
      %dma_wait3A_16 = tpu.memref_squeeze %dma_wait3A_15 : memref<1x640x128xf32, #tpu.memory_space<hbm>> -> memref<640x128xf32, #tpu.memory_space<hbm>>
      %dma_wait3A_17 = arith.constant 0 : i32
      %dma_wait3A_18 = tpu.memref_slice %arg8[%mul3A_8, %dma_wait3A_17] : memref<10240x128xf32, #tpu.memory_space<vmem_shared>> -> memref<640x128xf32, #tpu.memory_space<vmem_shared>>
      tpu.wait_dma2 semaphore(%run_scoped3A : memref<!tpu.dma_semaphore, #tpu.memory_space<semaphore_mem>>) src(%dma_wait3A_18 : memref<640x128xf32, #tpu.memory_space<vmem_shared>>) dst(%dma_wait3A_16 : memref<640x128xf32, #tpu.memory_space<hbm>>)
      tpu.yield
    }) : () -> ()
    return
  }
}

#map = affine_map<(d0, d1) -> (0, 0)>
#map1 = affine_map<(d0, d1) -> (0, 0, 0, 0)>
#map2 = affine_map<(d0, d1) -> (0, 0, 0)>
module attributes {stable_mosaic.version = 14 : i64} {
  func.func @mp(%arg0: i32, %arg1: i32, %arg2: memref<40000x128xf32, #tpu.memory_space<hbm>>, %arg3: memref<4x16x79x128xi32, #tpu.memory_space<hbm>>, %arg4: memref<16x79x128xi32, #tpu.memory_space<hbm>>, %arg5: memref<640x128xf32, #tpu.memory_space<hbm>>, %arg6: memref<40960x128xf32, #tpu.memory_space<hbm>>, %arg7: memref<79x128xi32, #tpu.memory_space<vmem>>, %arg8: memref<79x128xi32, #tpu.memory_space<vmem>>, %arg9: memref<128x128xf32, #tpu.memory_space<vmem>>, %arg10: memref<!tpu.dma_semaphore, #tpu.memory_space<semaphore_mem>>, %arg11: memref<10240x128xf32, #tpu.memory_space<vmem_shared>>) attributes {dimension_semantics = [#tpu.dimension_semantics<core_parallel>, #tpu.dimension_semantics<subcore_parallel>], iteration_bounds = array<i64: 2, 16>, scalar_prefetch = 0 : i64, scratch_operands = 5 : i64, tpu.core_type = #tpu.core_type<sc_vector_subcore>, window_params = [{transform_indices = #map}, {transform_indices = #map1}, {transform_indices = #map2}, {transform_indices = #map}, {transform_indices = #map}]} {
    "tpu.region"() ({
      %run_scoped3A = tpu.sem_alloc : memref<!tpu.dma_semaphore, #tpu.memory_space<semaphore_mem>>
      %dma_start3A = arith.constant 0 : i32
      %dma_start3A_39 = arith.constant 0 : i32
      %dma_start3A_40 = tpu.memref_slice %arg4[%arg1, %dma_start3A, %dma_start3A_39] : memref<16x79x128xi32, #tpu.memory_space<hbm>> -> memref<1x79x128xi32, #tpu.memory_space<hbm>>
      %dma_start3A_41 = tpu.memref_squeeze %dma_start3A_40 : memref<1x79x128xi32, #tpu.memory_space<hbm>> -> memref<79x128xi32, #tpu.memory_space<hbm>>
      %dma_start3A_42 = arith.constant 0 : i32
      %dma_start3A_43 = arith.constant 0 : i32
      %dma_start3A_44 = tpu.memref_slice %arg4[%arg1, %dma_start3A_42, %dma_start3A_43] : memref<16x79x128xi32, #tpu.memory_space<hbm>> -> memref<1x79x128xi32, #tpu.memory_space<hbm>>
      %dma_start3A_45 = tpu.memref_squeeze %dma_start3A_44 : memref<1x79x128xi32, #tpu.memory_space<hbm>> -> memref<79x128xi32, #tpu.memory_space<hbm>>
      tpu.enqueue_dma source(%dma_start3A_45 : memref<79x128xi32, #tpu.memory_space<hbm>>) target(%arg8 : memref<79x128xi32, #tpu.memory_space<vmem>>) target_semaphore(%run_scoped3A : memref<!tpu.dma_semaphore, #tpu.memory_space<semaphore_mem>>)
      %dma_wait3A = arith.constant 0 : i32
      %dma_wait3A_46 = arith.constant 0 : i32
      %dma_wait3A_47 = tpu.memref_slice %arg4[%arg1, %dma_wait3A, %dma_wait3A_46] : memref<16x79x128xi32, #tpu.memory_space<hbm>> -> memref<1x79x128xi32, #tpu.memory_space<hbm>>
      %dma_wait3A_48 = tpu.memref_squeeze %dma_wait3A_47 : memref<1x79x128xi32, #tpu.memory_space<hbm>> -> memref<79x128xi32, #tpu.memory_space<hbm>>
      %dma_wait3A_49 = arith.constant 0 : i32
      %dma_wait3A_50 = arith.constant 0 : i32
      %dma_wait3A_51 = tpu.memref_slice %arg4[%arg1, %dma_wait3A_49, %dma_wait3A_50] : memref<16x79x128xi32, #tpu.memory_space<hbm>> -> memref<1x79x128xi32, #tpu.memory_space<hbm>>
      %dma_wait3A_52 = tpu.memref_squeeze %dma_wait3A_51 : memref<1x79x128xi32, #tpu.memory_space<hbm>> -> memref<79x128xi32, #tpu.memory_space<hbm>>
      tpu.wait_dma2 semaphore(%run_scoped3A : memref<!tpu.dma_semaphore, #tpu.memory_space<semaphore_mem>>) src(%dma_wait3A_52 : memref<79x128xi32, #tpu.memory_space<hbm>>) dst(%arg8 : memref<79x128xi32, #tpu.memory_space<vmem>>)
      tpu.yield
    }) : () -> ()
    %mul3A = arith.constant 2 : i32
    %mul3A_0 = arith.muli %arg0, %mul3A : i32
    %add3A = arith.constant 0 : i32
    %add3A_1 = arith.addi %mul3A_0, %add3A : i32
    "tpu.region"() ({
      %run_scoped3A = tpu.sem_alloc : memref<!tpu.dma_semaphore, #tpu.memory_space<semaphore_mem>>
      %dma_start3A = arith.constant 0 : i32
      %dma_start3A_39 = arith.constant 0 : i32
      %dma_start3A_40 = tpu.memref_slice %arg3[%add3A_1, %arg1, %dma_start3A, %dma_start3A_39] : memref<4x16x79x128xi32, #tpu.memory_space<hbm>> -> memref<1x1x79x128xi32, #tpu.memory_space<hbm>>
      %dma_start3A_41 = tpu.memref_squeeze %dma_start3A_40 : memref<1x1x79x128xi32, #tpu.memory_space<hbm>> -> memref<79x128xi32, #tpu.memory_space<hbm>>
      %dma_start3A_42 = arith.constant 0 : i32
      %dma_start3A_43 = arith.constant 0 : i32
      %dma_start3A_44 = tpu.memref_slice %arg3[%add3A_1, %arg1, %dma_start3A_42, %dma_start3A_43] : memref<4x16x79x128xi32, #tpu.memory_space<hbm>> -> memref<1x1x79x128xi32, #tpu.memory_space<hbm>>
      %dma_start3A_45 = tpu.memref_squeeze %dma_start3A_44 : memref<1x1x79x128xi32, #tpu.memory_space<hbm>> -> memref<79x128xi32, #tpu.memory_space<hbm>>
      tpu.enqueue_dma source(%dma_start3A_45 : memref<79x128xi32, #tpu.memory_space<hbm>>) target(%arg7 : memref<79x128xi32, #tpu.memory_space<vmem>>) target_semaphore(%run_scoped3A : memref<!tpu.dma_semaphore, #tpu.memory_space<semaphore_mem>>)
      %dma_wait3A = arith.constant 0 : i32
      %dma_wait3A_46 = arith.constant 0 : i32
      %dma_wait3A_47 = tpu.memref_slice %arg3[%add3A_1, %arg1, %dma_wait3A, %dma_wait3A_46] : memref<4x16x79x128xi32, #tpu.memory_space<hbm>> -> memref<1x1x79x128xi32, #tpu.memory_space<hbm>>
      %dma_wait3A_48 = tpu.memref_squeeze %dma_wait3A_47 : memref<1x1x79x128xi32, #tpu.memory_space<hbm>> -> memref<79x128xi32, #tpu.memory_space<hbm>>
      %dma_wait3A_49 = arith.constant 0 : i32
      %dma_wait3A_50 = arith.constant 0 : i32
      %dma_wait3A_51 = tpu.memref_slice %arg3[%add3A_1, %arg1, %dma_wait3A_49, %dma_wait3A_50] : memref<4x16x79x128xi32, #tpu.memory_space<hbm>> -> memref<1x1x79x128xi32, #tpu.memory_space<hbm>>
      %dma_wait3A_52 = tpu.memref_squeeze %dma_wait3A_51 : memref<1x1x79x128xi32, #tpu.memory_space<hbm>> -> memref<79x128xi32, #tpu.memory_space<hbm>>
      tpu.wait_dma2 semaphore(%run_scoped3A : memref<!tpu.dma_semaphore, #tpu.memory_space<semaphore_mem>>) src(%dma_wait3A_52 : memref<79x128xi32, #tpu.memory_space<hbm>>) dst(%arg7 : memref<79x128xi32, #tpu.memory_space<vmem>>)
      tpu.yield
    }) : () -> ()
    %mul3A_2 = arith.constant 640 : i32
    %mul3A_3 = arith.muli %arg1, %mul3A_2 : i32
    "tpu.region"() ({
      %run_scoped3A = tpu.sem_alloc : memref<!tpu.dma_semaphore, #tpu.memory_space<semaphore_mem>>
      %dma_start3A = arith.constant 0 : i32
      %dma_start3A_39 = tpu.memref_slice %arg11[%mul3A_3, %dma_start3A] : memref<10240x128xf32, #tpu.memory_space<vmem_shared>> -> memref<640x128xf32, #tpu.memory_space<vmem_shared>>
      tpu.enqueue_dma source(%arg5 : memref<640x128xf32, #tpu.memory_space<hbm>>) target(%dma_start3A_39 : memref<640x128xf32, #tpu.memory_space<vmem_shared>>) target_semaphore(%run_scoped3A : memref<!tpu.dma_semaphore, #tpu.memory_space<semaphore_mem>>)
      %dma_wait3A = arith.constant 0 : i32
      %dma_wait3A_40 = tpu.memref_slice %arg11[%mul3A_3, %dma_wait3A] : memref<10240x128xf32, #tpu.memory_space<vmem_shared>> -> memref<640x128xf32, #tpu.memory_space<vmem_shared>>
      tpu.wait_dma2 semaphore(%run_scoped3A : memref<!tpu.dma_semaphore, #tpu.memory_space<semaphore_mem>>) src(%arg5 : memref<640x128xf32, #tpu.memory_space<hbm>>) dst(%dma_wait3A_40 : memref<640x128xf32, #tpu.memory_space<vmem_shared>>)
      tpu.yield
    }) : () -> ()
    %barrier3A = arith.constant 0 : index
    tpu.barrier barrier_id(%barrier3A)
    %scan3A = arith.constant 0 : i32
    %scan3A_4 = arith.constant 0 : i32
    %scan3A_5 = arith.constant 79 : i32
    %scan3A_6 = arith.addi %scan3A_4, %scan3A_5 : i32
    %scan3A_7 = arith.constant 1 : i32
    scf.for %scan3A_39 = %scan3A_4 to %scan3A_6 step %scan3A_7  : i32 {
      %dma_start3A = arith.constant 0 : i32
      %dma_start3A_40 = tpu.memref_slice %arg7[%scan3A_39, %dma_start3A] : memref<79x128xi32, #tpu.memory_space<vmem>> -> memref<1x128xi32, #tpu.memory_space<vmem>>
      %dma_start3A_41 = tpu.memref_squeeze %dma_start3A_40 : memref<1x128xi32, #tpu.memory_space<vmem>> -> memref<128xi32, #tpu.memory_space<vmem>>
      %dma_start3A_42 = arith.constant 0 : i32
      %dma_start3A_43 = arith.constant 0 : i32
      %dma_start3A_44 = tpu.memref_slice %arg2[%dma_start3A_42, %dma_start3A_43] : memref<40000x128xf32, #tpu.memory_space<hbm>> -> memref<40000x128xf32, #tpu.memory_space<hbm>>
      tpu.enqueue_indirect_dma source(%dma_start3A_44 : memref<40000x128xf32, #tpu.memory_space<hbm>>) target(%arg9 : memref<128x128xf32, #tpu.memory_space<vmem>>) offsets(%dma_start3A_41 : memref<128xi32, #tpu.memory_space<vmem>>) semaphore(%arg10 : memref<!tpu.dma_semaphore, #tpu.memory_space<semaphore_mem>>)
      %dma_wait3A = arith.constant 0 : i32
      %dma_wait3A_45 = tpu.memref_slice %arg7[%scan3A_39, %dma_wait3A] : memref<79x128xi32, #tpu.memory_space<vmem>> -> memref<1x128xi32, #tpu.memory_space<vmem>>
      %dma_wait3A_46 = tpu.memref_squeeze %dma_wait3A_45 : memref<1x128xi32, #tpu.memory_space<vmem>> -> memref<128xi32, #tpu.memory_space<vmem>>
      %dma_wait3A_47 = arith.constant 0 : i32
      %dma_wait3A_48 = arith.constant 0 : i32
      %dma_wait3A_49 = tpu.memref_slice %arg2[%dma_wait3A_47, %dma_wait3A_48] : memref<40000x128xf32, #tpu.memory_space<hbm>> -> memref<40000x128xf32, #tpu.memory_space<hbm>>
      tpu.wait_indirect_dma semaphore(%arg10 : memref<!tpu.dma_semaphore, #tpu.memory_space<semaphore_mem>>) src(%dma_wait3A_49 : memref<40000x128xf32, #tpu.memory_space<hbm>>) dst(%arg9 : memref<128x128xf32, #tpu.memory_space<vmem>>)
      "tpu.region"() ({
        %run_scoped3A = tpu.sem_alloc : memref<!tpu.dma_semaphore, #tpu.memory_space<semaphore_mem>>
        %dma_start3A_50 = arith.constant 0 : i32
        %dma_start3A_51 = tpu.memref_slice %arg8[%scan3A_39, %dma_start3A_50] : memref<79x128xi32, #tpu.memory_space<vmem>> -> memref<1x128xi32, #tpu.memory_space<vmem>>
        %dma_start3A_52 = tpu.memref_squeeze %dma_start3A_51 : memref<1x128xi32, #tpu.memory_space<vmem>> -> memref<128xi32, #tpu.memory_space<vmem>>
        %dma_start3A_53 = arith.constant 0 : i32
        %dma_start3A_54 = arith.constant 0 : i32
        %dma_start3A_55 = tpu.memref_slice %arg11[%dma_start3A_53, %dma_start3A_54] : memref<10240x128xf32, #tpu.memory_space<vmem_shared>> -> memref<10240x128xf32, #tpu.memory_space<vmem_shared>>
        tpu.enqueue_indirect_dma source(%arg9 : memref<128x128xf32, #tpu.memory_space<vmem>>) target(%dma_start3A_55 : memref<10240x128xf32, #tpu.memory_space<vmem_shared>>) offsets(%dma_start3A_52 : memref<128xi32, #tpu.memory_space<vmem>>) semaphore(%run_scoped3A : memref<!tpu.dma_semaphore, #tpu.memory_space<semaphore_mem>>) {add = true}
        %dma_wait3A_56 = arith.constant 0 : i32
        %dma_wait3A_57 = tpu.memref_slice %arg8[%scan3A_39, %dma_wait3A_56] : memref<79x128xi32, #tpu.memory_space<vmem>> -> memref<1x128xi32, #tpu.memory_space<vmem>>
        %dma_wait3A_58 = tpu.memref_squeeze %dma_wait3A_57 : memref<1x128xi32, #tpu.memory_space<vmem>> -> memref<128xi32, #tpu.memory_space<vmem>>
        %dma_wait3A_59 = arith.constant 0 : i32
        %dma_wait3A_60 = arith.constant 0 : i32
        %dma_wait3A_61 = tpu.memref_slice %arg11[%dma_wait3A_59, %dma_wait3A_60] : memref<10240x128xf32, #tpu.memory_space<vmem_shared>> -> memref<10240x128xf32, #tpu.memory_space<vmem_shared>>
        tpu.wait_indirect_dma semaphore(%run_scoped3A : memref<!tpu.dma_semaphore, #tpu.memory_space<semaphore_mem>>) src(%arg9 : memref<128x128xf32, #tpu.memory_space<vmem>>) dst(%dma_wait3A_61 : memref<10240x128xf32, #tpu.memory_space<vmem_shared>>)
        tpu.yield
      }) : () -> ()
    }
    %scan3A_8 = arith.constant 79 : i32
    %barrier3A_9 = arith.constant 0 : index
    tpu.barrier barrier_id(%barrier3A_9)
    %mul3A_10 = arith.constant 640 : i32
    %mul3A_11 = arith.muli %arg1, %mul3A_10 : i32
    %mul3A_12 = arith.constant 10240 : i32
    %mul3A_13 = arith.muli %add3A_1, %mul3A_12 : i32
    %mul3A_14 = arith.constant 640 : i32
    %mul3A_15 = arith.muli %arg1, %mul3A_14 : i32
    %add3A_16 = arith.addi %mul3A_13, %mul3A_15 : i32
    "tpu.region"() ({
      %run_scoped3A = tpu.sem_alloc : memref<!tpu.dma_semaphore, #tpu.memory_space<semaphore_mem>>
      %dma_start3A = arith.constant 0 : i32
      %dma_start3A_39 = tpu.memref_slice %arg6[%add3A_16, %dma_start3A] : memref<40960x128xf32, #tpu.memory_space<hbm>> -> memref<640x128xf32, #tpu.memory_space<hbm>>
      %dma_start3A_40 = arith.constant 0 : i32
      %dma_start3A_41 = tpu.memref_slice %arg11[%mul3A_11, %dma_start3A_40] : memref<10240x128xf32, #tpu.memory_space<vmem_shared>> -> memref<640x128xf32, #tpu.memory_space<vmem_shared>>
      tpu.enqueue_dma source(%dma_start3A_41 : memref<640x128xf32, #tpu.memory_space<vmem_shared>>) target(%dma_start3A_39 : memref<640x128xf32, #tpu.memory_space<hbm>>) target_semaphore(%run_scoped3A : memref<!tpu.dma_semaphore, #tpu.memory_space<semaphore_mem>>)
      %dma_wait3A = arith.constant 0 : i32
      %dma_wait3A_42 = tpu.memref_slice %arg6[%add3A_16, %dma_wait3A] : memref<40960x128xf32, #tpu.memory_space<hbm>> -> memref<640x128xf32, #tpu.memory_space<hbm>>
      %dma_wait3A_43 = arith.constant 0 : i32
      %dma_wait3A_44 = tpu.memref_slice %arg11[%mul3A_11, %dma_wait3A_43] : memref<10240x128xf32, #tpu.memory_space<vmem_shared>> -> memref<640x128xf32, #tpu.memory_space<vmem_shared>>
      tpu.wait_dma2 semaphore(%run_scoped3A : memref<!tpu.dma_semaphore, #tpu.memory_space<semaphore_mem>>) src(%dma_wait3A_44 : memref<640x128xf32, #tpu.memory_space<vmem_shared>>) dst(%dma_wait3A_42 : memref<640x128xf32, #tpu.memory_space<hbm>>)
      tpu.yield
    }) : () -> ()
    %barrier3A_17 = arith.constant 0 : index
    tpu.barrier barrier_id(%barrier3A_17)
    %mul3A_18 = arith.constant 2 : i32
    %mul3A_19 = arith.muli %arg0, %mul3A_18 : i32
    %add3A_20 = arith.constant 1 : i32
    %add3A_21 = arith.addi %mul3A_19, %add3A_20 : i32
    "tpu.region"() ({
      %run_scoped3A = tpu.sem_alloc : memref<!tpu.dma_semaphore, #tpu.memory_space<semaphore_mem>>
      %dma_start3A = arith.constant 0 : i32
      %dma_start3A_39 = arith.constant 0 : i32
      %dma_start3A_40 = tpu.memref_slice %arg3[%add3A_21, %arg1, %dma_start3A, %dma_start3A_39] : memref<4x16x79x128xi32, #tpu.memory_space<hbm>> -> memref<1x1x79x128xi32, #tpu.memory_space<hbm>>
      %dma_start3A_41 = tpu.memref_squeeze %dma_start3A_40 : memref<1x1x79x128xi32, #tpu.memory_space<hbm>> -> memref<79x128xi32, #tpu.memory_space<hbm>>
      %dma_start3A_42 = arith.constant 0 : i32
      %dma_start3A_43 = arith.constant 0 : i32
      %dma_start3A_44 = tpu.memref_slice %arg3[%add3A_21, %arg1, %dma_start3A_42, %dma_start3A_43] : memref<4x16x79x128xi32, #tpu.memory_space<hbm>> -> memref<1x1x79x128xi32, #tpu.memory_space<hbm>>
      %dma_start3A_45 = tpu.memref_squeeze %dma_start3A_44 : memref<1x1x79x128xi32, #tpu.memory_space<hbm>> -> memref<79x128xi32, #tpu.memory_space<hbm>>
      tpu.enqueue_dma source(%dma_start3A_45 : memref<79x128xi32, #tpu.memory_space<hbm>>) target(%arg7 : memref<79x128xi32, #tpu.memory_space<vmem>>) target_semaphore(%run_scoped3A : memref<!tpu.dma_semaphore, #tpu.memory_space<semaphore_mem>>)
      %dma_wait3A = arith.constant 0 : i32
      %dma_wait3A_46 = arith.constant 0 : i32
      %dma_wait3A_47 = tpu.memref_slice %arg3[%add3A_21, %arg1, %dma_wait3A, %dma_wait3A_46] : memref<4x16x79x128xi32, #tpu.memory_space<hbm>> -> memref<1x1x79x128xi32, #tpu.memory_space<hbm>>
      %dma_wait3A_48 = tpu.memref_squeeze %dma_wait3A_47 : memref<1x1x79x128xi32, #tpu.memory_space<hbm>> -> memref<79x128xi32, #tpu.memory_space<hbm>>
      %dma_wait3A_49 = arith.constant 0 : i32
      %dma_wait3A_50 = arith.constant 0 : i32
      %dma_wait3A_51 = tpu.memref_slice %arg3[%add3A_21, %arg1, %dma_wait3A_49, %dma_wait3A_50] : memref<4x16x79x128xi32, #tpu.memory_space<hbm>> -> memref<1x1x79x128xi32, #tpu.memory_space<hbm>>
      %dma_wait3A_52 = tpu.memref_squeeze %dma_wait3A_51 : memref<1x1x79x128xi32, #tpu.memory_space<hbm>> -> memref<79x128xi32, #tpu.memory_space<hbm>>
      tpu.wait_dma2 semaphore(%run_scoped3A : memref<!tpu.dma_semaphore, #tpu.memory_space<semaphore_mem>>) src(%dma_wait3A_52 : memref<79x128xi32, #tpu.memory_space<hbm>>) dst(%arg7 : memref<79x128xi32, #tpu.memory_space<vmem>>)
      tpu.yield
    }) : () -> ()
    %mul3A_22 = arith.constant 640 : i32
    %mul3A_23 = arith.muli %arg1, %mul3A_22 : i32
    "tpu.region"() ({
      %run_scoped3A = tpu.sem_alloc : memref<!tpu.dma_semaphore, #tpu.memory_space<semaphore_mem>>
      %dma_start3A = arith.constant 0 : i32
      %dma_start3A_39 = tpu.memref_slice %arg11[%mul3A_23, %dma_start3A] : memref<10240x128xf32, #tpu.memory_space<vmem_shared>> -> memref<640x128xf32, #tpu.memory_space<vmem_shared>>
      tpu.enqueue_dma source(%arg5 : memref<640x128xf32, #tpu.memory_space<hbm>>) target(%dma_start3A_39 : memref<640x128xf32, #tpu.memory_space<vmem_shared>>) target_semaphore(%run_scoped3A : memref<!tpu.dma_semaphore, #tpu.memory_space<semaphore_mem>>)
      %dma_wait3A = arith.constant 0 : i32
      %dma_wait3A_40 = tpu.memref_slice %arg11[%mul3A_23, %dma_wait3A] : memref<10240x128xf32, #tpu.memory_space<vmem_shared>> -> memref<640x128xf32, #tpu.memory_space<vmem_shared>>
      tpu.wait_dma2 semaphore(%run_scoped3A : memref<!tpu.dma_semaphore, #tpu.memory_space<semaphore_mem>>) src(%arg5 : memref<640x128xf32, #tpu.memory_space<hbm>>) dst(%dma_wait3A_40 : memref<640x128xf32, #tpu.memory_space<vmem_shared>>)
      tpu.yield
    }) : () -> ()
    %barrier3A_24 = arith.constant 0 : index
    tpu.barrier barrier_id(%barrier3A_24)
    %scan3A_25 = arith.constant 0 : i32
    %scan3A_26 = arith.constant 0 : i32
    %scan3A_27 = arith.constant 79 : i32
    %scan3A_28 = arith.addi %scan3A_26, %scan3A_27 : i32
    %scan3A_29 = arith.constant 1 : i32
    scf.for %scan3A_39 = %scan3A_26 to %scan3A_28 step %scan3A_29  : i32 {
      %dma_start3A = arith.constant 0 : i32
      %dma_start3A_40 = tpu.memref_slice %arg7[%scan3A_39, %dma_start3A] : memref<79x128xi32, #tpu.memory_space<vmem>> -> memref<1x128xi32, #tpu.memory_space<vmem>>
      %dma_start3A_41 = tpu.memref_squeeze %dma_start3A_40 : memref<1x128xi32, #tpu.memory_space<vmem>> -> memref<128xi32, #tpu.memory_space<vmem>>
      %dma_start3A_42 = arith.constant 0 : i32
      %dma_start3A_43 = arith.constant 0 : i32
      %dma_start3A_44 = tpu.memref_slice %arg2[%dma_start3A_42, %dma_start3A_43] : memref<40000x128xf32, #tpu.memory_space<hbm>> -> memref<40000x128xf32, #tpu.memory_space<hbm>>
      tpu.enqueue_indirect_dma source(%dma_start3A_44 : memref<40000x128xf32, #tpu.memory_space<hbm>>) target(%arg9 : memref<128x128xf32, #tpu.memory_space<vmem>>) offsets(%dma_start3A_41 : memref<128xi32, #tpu.memory_space<vmem>>) semaphore(%arg10 : memref<!tpu.dma_semaphore, #tpu.memory_space<semaphore_mem>>)
      %dma_wait3A = arith.constant 0 : i32
      %dma_wait3A_45 = tpu.memref_slice %arg7[%scan3A_39, %dma_wait3A] : memref<79x128xi32, #tpu.memory_space<vmem>> -> memref<1x128xi32, #tpu.memory_space<vmem>>
      %dma_wait3A_46 = tpu.memref_squeeze %dma_wait3A_45 : memref<1x128xi32, #tpu.memory_space<vmem>> -> memref<128xi32, #tpu.memory_space<vmem>>
      %dma_wait3A_47 = arith.constant 0 : i32
      %dma_wait3A_48 = arith.constant 0 : i32
      %dma_wait3A_49 = tpu.memref_slice %arg2[%dma_wait3A_47, %dma_wait3A_48] : memref<40000x128xf32, #tpu.memory_space<hbm>> -> memref<40000x128xf32, #tpu.memory_space<hbm>>
      tpu.wait_indirect_dma semaphore(%arg10 : memref<!tpu.dma_semaphore, #tpu.memory_space<semaphore_mem>>) src(%dma_wait3A_49 : memref<40000x128xf32, #tpu.memory_space<hbm>>) dst(%arg9 : memref<128x128xf32, #tpu.memory_space<vmem>>)
      "tpu.region"() ({
        %run_scoped3A = tpu.sem_alloc : memref<!tpu.dma_semaphore, #tpu.memory_space<semaphore_mem>>
        %dma_start3A_50 = arith.constant 0 : i32
        %dma_start3A_51 = tpu.memref_slice %arg8[%scan3A_39, %dma_start3A_50] : memref<79x128xi32, #tpu.memory_space<vmem>> -> memref<1x128xi32, #tpu.memory_space<vmem>>
        %dma_start3A_52 = tpu.memref_squeeze %dma_start3A_51 : memref<1x128xi32, #tpu.memory_space<vmem>> -> memref<128xi32, #tpu.memory_space<vmem>>
        %dma_start3A_53 = arith.constant 0 : i32
        %dma_start3A_54 = arith.constant 0 : i32
        %dma_start3A_55 = tpu.memref_slice %arg11[%dma_start3A_53, %dma_start3A_54] : memref<10240x128xf32, #tpu.memory_space<vmem_shared>> -> memref<10240x128xf32, #tpu.memory_space<vmem_shared>>
        tpu.enqueue_indirect_dma source(%arg9 : memref<128x128xf32, #tpu.memory_space<vmem>>) target(%dma_start3A_55 : memref<10240x128xf32, #tpu.memory_space<vmem_shared>>) offsets(%dma_start3A_52 : memref<128xi32, #tpu.memory_space<vmem>>) semaphore(%run_scoped3A : memref<!tpu.dma_semaphore, #tpu.memory_space<semaphore_mem>>) {add = true}
        %dma_wait3A_56 = arith.constant 0 : i32
        %dma_wait3A_57 = tpu.memref_slice %arg8[%scan3A_39, %dma_wait3A_56] : memref<79x128xi32, #tpu.memory_space<vmem>> -> memref<1x128xi32, #tpu.memory_space<vmem>>
        %dma_wait3A_58 = tpu.memref_squeeze %dma_wait3A_57 : memref<1x128xi32, #tpu.memory_space<vmem>> -> memref<128xi32, #tpu.memory_space<vmem>>
        %dma_wait3A_59 = arith.constant 0 : i32
        %dma_wait3A_60 = arith.constant 0 : i32
        %dma_wait3A_61 = tpu.memref_slice %arg11[%dma_wait3A_59, %dma_wait3A_60] : memref<10240x128xf32, #tpu.memory_space<vmem_shared>> -> memref<10240x128xf32, #tpu.memory_space<vmem_shared>>
        tpu.wait_indirect_dma semaphore(%run_scoped3A : memref<!tpu.dma_semaphore, #tpu.memory_space<semaphore_mem>>) src(%arg9 : memref<128x128xf32, #tpu.memory_space<vmem>>) dst(%dma_wait3A_61 : memref<10240x128xf32, #tpu.memory_space<vmem_shared>>)
        tpu.yield
      }) : () -> ()
    }
    %scan3A_30 = arith.constant 79 : i32
    %barrier3A_31 = arith.constant 0 : index
    tpu.barrier barrier_id(%barrier3A_31)
    %mul3A_32 = arith.constant 640 : i32
    %mul3A_33 = arith.muli %arg1, %mul3A_32 : i32
    %mul3A_34 = arith.constant 10240 : i32
    %mul3A_35 = arith.muli %add3A_21, %mul3A_34 : i32
    %mul3A_36 = arith.constant 640 : i32
    %mul3A_37 = arith.muli %arg1, %mul3A_36 : i32
    %add3A_38 = arith.addi %mul3A_35, %mul3A_37 : i32
    "tpu.region"() ({
      %run_scoped3A = tpu.sem_alloc : memref<!tpu.dma_semaphore, #tpu.memory_space<semaphore_mem>>
      %dma_start3A = arith.constant 0 : i32
      %dma_start3A_39 = tpu.memref_slice %arg6[%add3A_38, %dma_start3A] : memref<40960x128xf32, #tpu.memory_space<hbm>> -> memref<640x128xf32, #tpu.memory_space<hbm>>
      %dma_start3A_40 = arith.constant 0 : i32
      %dma_start3A_41 = tpu.memref_slice %arg11[%mul3A_33, %dma_start3A_40] : memref<10240x128xf32, #tpu.memory_space<vmem_shared>> -> memref<640x128xf32, #tpu.memory_space<vmem_shared>>
      tpu.enqueue_dma source(%dma_start3A_41 : memref<640x128xf32, #tpu.memory_space<vmem_shared>>) target(%dma_start3A_39 : memref<640x128xf32, #tpu.memory_space<hbm>>) target_semaphore(%run_scoped3A : memref<!tpu.dma_semaphore, #tpu.memory_space<semaphore_mem>>)
      %dma_wait3A = arith.constant 0 : i32
      %dma_wait3A_42 = tpu.memref_slice %arg6[%add3A_38, %dma_wait3A] : memref<40960x128xf32, #tpu.memory_space<hbm>> -> memref<640x128xf32, #tpu.memory_space<hbm>>
      %dma_wait3A_43 = arith.constant 0 : i32
      %dma_wait3A_44 = tpu.memref_slice %arg11[%mul3A_33, %dma_wait3A_43] : memref<10240x128xf32, #tpu.memory_space<vmem_shared>> -> memref<640x128xf32, #tpu.memory_space<vmem_shared>>
      tpu.wait_dma2 semaphore(%run_scoped3A : memref<!tpu.dma_semaphore, #tpu.memory_space<semaphore_mem>>) src(%dma_wait3A_44 : memref<640x128xf32, #tpu.memory_space<vmem_shared>>) dst(%dma_wait3A_42 : memref<640x128xf32, #tpu.memory_space<hbm>>)
      tpu.yield
    }) : () -> ()
    return
  }
}

#map = affine_map<(d0, d1) -> (0, 0)>
#map1 = affine_map<(d0, d1) -> (0, 0, 0, 0)>
#map2 = affine_map<(d0, d1) -> (0, 0, 0)>
module attributes {stable_mosaic.version = 14 : i64} {
  func.func @mp(%arg0: i32, %arg1: i32, %arg2: memref<20000x128xf32, #tpu.memory_space<hbm>>, %arg3: memref<2x16x79x128xi32, #tpu.memory_space<hbm>>, %arg4: memref<16x79x128xi32, #tpu.memory_space<hbm>>, %arg5: memref<640x128xf32, #tpu.memory_space<hbm>>, %arg6: memref<20480x128xf32, #tpu.memory_space<hbm>>, %arg7: memref<79x128xi32, #tpu.memory_space<vmem>>, %arg8: memref<79x128xi32, #tpu.memory_space<vmem>>, %arg9: memref<128x128xf32, #tpu.memory_space<vmem>>, %arg10: memref<!tpu.dma_semaphore, #tpu.memory_space<semaphore_mem>>, %arg11: memref<10240x128xf32, #tpu.memory_space<vmem_shared>>) attributes {dimension_semantics = [#tpu.dimension_semantics<core_parallel>, #tpu.dimension_semantics<subcore_parallel>], iteration_bounds = array<i64: 2, 16>, scalar_prefetch = 0 : i64, scratch_operands = 5 : i64, tpu.core_type = #tpu.core_type<sc_vector_subcore>, window_params = [{transform_indices = #map}, {transform_indices = #map1}, {transform_indices = #map2}, {transform_indices = #map}, {transform_indices = #map}]} {
    "tpu.region"() ({
      %run_scoped3A = tpu.sem_alloc : memref<!tpu.dma_semaphore, #tpu.memory_space<semaphore_mem>>
      %dma_start3A = arith.constant 0 : i32
      %dma_start3A_17 = arith.constant 0 : i32
      %dma_start3A_18 = tpu.memref_slice %arg4[%arg1, %dma_start3A, %dma_start3A_17] : memref<16x79x128xi32, #tpu.memory_space<hbm>> -> memref<1x79x128xi32, #tpu.memory_space<hbm>>
      %dma_start3A_19 = tpu.memref_squeeze %dma_start3A_18 : memref<1x79x128xi32, #tpu.memory_space<hbm>> -> memref<79x128xi32, #tpu.memory_space<hbm>>
      %dma_start3A_20 = arith.constant 0 : i32
      %dma_start3A_21 = arith.constant 0 : i32
      %dma_start3A_22 = tpu.memref_slice %arg4[%arg1, %dma_start3A_20, %dma_start3A_21] : memref<16x79x128xi32, #tpu.memory_space<hbm>> -> memref<1x79x128xi32, #tpu.memory_space<hbm>>
      %dma_start3A_23 = tpu.memref_squeeze %dma_start3A_22 : memref<1x79x128xi32, #tpu.memory_space<hbm>> -> memref<79x128xi32, #tpu.memory_space<hbm>>
      tpu.enqueue_dma source(%dma_start3A_23 : memref<79x128xi32, #tpu.memory_space<hbm>>) target(%arg8 : memref<79x128xi32, #tpu.memory_space<vmem>>) target_semaphore(%run_scoped3A : memref<!tpu.dma_semaphore, #tpu.memory_space<semaphore_mem>>)
      %dma_wait3A = arith.constant 0 : i32
      %dma_wait3A_24 = arith.constant 0 : i32
      %dma_wait3A_25 = tpu.memref_slice %arg4[%arg1, %dma_wait3A, %dma_wait3A_24] : memref<16x79x128xi32, #tpu.memory_space<hbm>> -> memref<1x79x128xi32, #tpu.memory_space<hbm>>
      %dma_wait3A_26 = tpu.memref_squeeze %dma_wait3A_25 : memref<1x79x128xi32, #tpu.memory_space<hbm>> -> memref<79x128xi32, #tpu.memory_space<hbm>>
      %dma_wait3A_27 = arith.constant 0 : i32
      %dma_wait3A_28 = arith.constant 0 : i32
      %dma_wait3A_29 = tpu.memref_slice %arg4[%arg1, %dma_wait3A_27, %dma_wait3A_28] : memref<16x79x128xi32, #tpu.memory_space<hbm>> -> memref<1x79x128xi32, #tpu.memory_space<hbm>>
      %dma_wait3A_30 = tpu.memref_squeeze %dma_wait3A_29 : memref<1x79x128xi32, #tpu.memory_space<hbm>> -> memref<79x128xi32, #tpu.memory_space<hbm>>
      tpu.wait_dma2 semaphore(%run_scoped3A : memref<!tpu.dma_semaphore, #tpu.memory_space<semaphore_mem>>) src(%dma_wait3A_30 : memref<79x128xi32, #tpu.memory_space<hbm>>) dst(%arg8 : memref<79x128xi32, #tpu.memory_space<vmem>>)
      tpu.yield
    }) : () -> ()
    %mul3A = arith.constant 1 : i32
    %mul3A_0 = arith.muli %arg0, %mul3A : i32
    %add3A = arith.constant 0 : i32
    %add3A_1 = arith.addi %mul3A_0, %add3A : i32
    "tpu.region"() ({
      %run_scoped3A = tpu.sem_alloc : memref<!tpu.dma_semaphore, #tpu.memory_space<semaphore_mem>>
      %dma_start3A = arith.constant 0 : i32
      %dma_start3A_17 = arith.constant 0 : i32
      %dma_start3A_18 = tpu.memref_slice %arg3[%add3A_1, %arg1, %dma_start3A, %dma_start3A_17] : memref<2x16x79x128xi32, #tpu.memory_space<hbm>> -> memref<1x1x79x128xi32, #tpu.memory_space<hbm>>
      %dma_start3A_19 = tpu.memref_squeeze %dma_start3A_18 : memref<1x1x79x128xi32, #tpu.memory_space<hbm>> -> memref<79x128xi32, #tpu.memory_space<hbm>>
      %dma_start3A_20 = arith.constant 0 : i32
      %dma_start3A_21 = arith.constant 0 : i32
      %dma_start3A_22 = tpu.memref_slice %arg3[%add3A_1, %arg1, %dma_start3A_20, %dma_start3A_21] : memref<2x16x79x128xi32, #tpu.memory_space<hbm>> -> memref<1x1x79x128xi32, #tpu.memory_space<hbm>>
      %dma_start3A_23 = tpu.memref_squeeze %dma_start3A_22 : memref<1x1x79x128xi32, #tpu.memory_space<hbm>> -> memref<79x128xi32, #tpu.memory_space<hbm>>
      tpu.enqueue_dma source(%dma_start3A_23 : memref<79x128xi32, #tpu.memory_space<hbm>>) target(%arg7 : memref<79x128xi32, #tpu.memory_space<vmem>>) target_semaphore(%run_scoped3A : memref<!tpu.dma_semaphore, #tpu.memory_space<semaphore_mem>>)
      %dma_wait3A = arith.constant 0 : i32
      %dma_wait3A_24 = arith.constant 0 : i32
      %dma_wait3A_25 = tpu.memref_slice %arg3[%add3A_1, %arg1, %dma_wait3A, %dma_wait3A_24] : memref<2x16x79x128xi32, #tpu.memory_space<hbm>> -> memref<1x1x79x128xi32, #tpu.memory_space<hbm>>
      %dma_wait3A_26 = tpu.memref_squeeze %dma_wait3A_25 : memref<1x1x79x128xi32, #tpu.memory_space<hbm>> -> memref<79x128xi32, #tpu.memory_space<hbm>>
      %dma_wait3A_27 = arith.constant 0 : i32
      %dma_wait3A_28 = arith.constant 0 : i32
      %dma_wait3A_29 = tpu.memref_slice %arg3[%add3A_1, %arg1, %dma_wait3A_27, %dma_wait3A_28] : memref<2x16x79x128xi32, #tpu.memory_space<hbm>> -> memref<1x1x79x128xi32, #tpu.memory_space<hbm>>
      %dma_wait3A_30 = tpu.memref_squeeze %dma_wait3A_29 : memref<1x1x79x128xi32, #tpu.memory_space<hbm>> -> memref<79x128xi32, #tpu.memory_space<hbm>>
      tpu.wait_dma2 semaphore(%run_scoped3A : memref<!tpu.dma_semaphore, #tpu.memory_space<semaphore_mem>>) src(%dma_wait3A_30 : memref<79x128xi32, #tpu.memory_space<hbm>>) dst(%arg7 : memref<79x128xi32, #tpu.memory_space<vmem>>)
      tpu.yield
    }) : () -> ()
    %mul3A_2 = arith.constant 640 : i32
    %mul3A_3 = arith.muli %arg1, %mul3A_2 : i32
    "tpu.region"() ({
      %run_scoped3A = tpu.sem_alloc : memref<!tpu.dma_semaphore, #tpu.memory_space<semaphore_mem>>
      %dma_start3A = arith.constant 0 : i32
      %dma_start3A_17 = tpu.memref_slice %arg11[%mul3A_3, %dma_start3A] : memref<10240x128xf32, #tpu.memory_space<vmem_shared>> -> memref<640x128xf32, #tpu.memory_space<vmem_shared>>
      tpu.enqueue_dma source(%arg5 : memref<640x128xf32, #tpu.memory_space<hbm>>) target(%dma_start3A_17 : memref<640x128xf32, #tpu.memory_space<vmem_shared>>) target_semaphore(%run_scoped3A : memref<!tpu.dma_semaphore, #tpu.memory_space<semaphore_mem>>)
      %dma_wait3A = arith.constant 0 : i32
      %dma_wait3A_18 = tpu.memref_slice %arg11[%mul3A_3, %dma_wait3A] : memref<10240x128xf32, #tpu.memory_space<vmem_shared>> -> memref<640x128xf32, #tpu.memory_space<vmem_shared>>
      tpu.wait_dma2 semaphore(%run_scoped3A : memref<!tpu.dma_semaphore, #tpu.memory_space<semaphore_mem>>) src(%arg5 : memref<640x128xf32, #tpu.memory_space<hbm>>) dst(%dma_wait3A_18 : memref<640x128xf32, #tpu.memory_space<vmem_shared>>)
      tpu.yield
    }) : () -> ()
    %barrier3A = arith.constant 0 : index
    tpu.barrier barrier_id(%barrier3A)
    %scan3A = arith.constant 0 : i32
    %scan3A_4 = arith.constant 0 : i32
    %scan3A_5 = arith.constant 79 : i32
    %scan3A_6 = arith.addi %scan3A_4, %scan3A_5 : i32
    %scan3A_7 = arith.constant 1 : i32
    scf.for %scan3A_17 = %scan3A_4 to %scan3A_6 step %scan3A_7  : i32 {
      %dma_start3A = arith.constant 0 : i32
      %dma_start3A_18 = tpu.memref_slice %arg7[%scan3A_17, %dma_start3A] : memref<79x128xi32, #tpu.memory_space<vmem>> -> memref<1x128xi32, #tpu.memory_space<vmem>>
      %dma_start3A_19 = tpu.memref_squeeze %dma_start3A_18 : memref<1x128xi32, #tpu.memory_space<vmem>> -> memref<128xi32, #tpu.memory_space<vmem>>
      %dma_start3A_20 = arith.constant 0 : i32
      %dma_start3A_21 = arith.constant 0 : i32
      %dma_start3A_22 = tpu.memref_slice %arg2[%dma_start3A_20, %dma_start3A_21] : memref<20000x128xf32, #tpu.memory_space<hbm>> -> memref<20000x128xf32, #tpu.memory_space<hbm>>
      tpu.enqueue_indirect_dma source(%dma_start3A_22 : memref<20000x128xf32, #tpu.memory_space<hbm>>) target(%arg9 : memref<128x128xf32, #tpu.memory_space<vmem>>) offsets(%dma_start3A_19 : memref<128xi32, #tpu.memory_space<vmem>>) semaphore(%arg10 : memref<!tpu.dma_semaphore, #tpu.memory_space<semaphore_mem>>)
      %dma_wait3A = arith.constant 0 : i32
      %dma_wait3A_23 = tpu.memref_slice %arg7[%scan3A_17, %dma_wait3A] : memref<79x128xi32, #tpu.memory_space<vmem>> -> memref<1x128xi32, #tpu.memory_space<vmem>>
      %dma_wait3A_24 = tpu.memref_squeeze %dma_wait3A_23 : memref<1x128xi32, #tpu.memory_space<vmem>> -> memref<128xi32, #tpu.memory_space<vmem>>
      %dma_wait3A_25 = arith.constant 0 : i32
      %dma_wait3A_26 = arith.constant 0 : i32
      %dma_wait3A_27 = tpu.memref_slice %arg2[%dma_wait3A_25, %dma_wait3A_26] : memref<20000x128xf32, #tpu.memory_space<hbm>> -> memref<20000x128xf32, #tpu.memory_space<hbm>>
      tpu.wait_indirect_dma semaphore(%arg10 : memref<!tpu.dma_semaphore, #tpu.memory_space<semaphore_mem>>) src(%dma_wait3A_27 : memref<20000x128xf32, #tpu.memory_space<hbm>>) dst(%arg9 : memref<128x128xf32, #tpu.memory_space<vmem>>)
      "tpu.region"() ({
        %run_scoped3A = tpu.sem_alloc : memref<!tpu.dma_semaphore, #tpu.memory_space<semaphore_mem>>
        %dma_start3A_28 = arith.constant 0 : i32
        %dma_start3A_29 = tpu.memref_slice %arg8[%scan3A_17, %dma_start3A_28] : memref<79x128xi32, #tpu.memory_space<vmem>> -> memref<1x128xi32, #tpu.memory_space<vmem>>
        %dma_start3A_30 = tpu.memref_squeeze %dma_start3A_29 : memref<1x128xi32, #tpu.memory_space<vmem>> -> memref<128xi32, #tpu.memory_space<vmem>>
        %dma_start3A_31 = arith.constant 0 : i32
        %dma_start3A_32 = arith.constant 0 : i32
        %dma_start3A_33 = tpu.memref_slice %arg11[%dma_start3A_31, %dma_start3A_32] : memref<10240x128xf32, #tpu.memory_space<vmem_shared>> -> memref<10240x128xf32, #tpu.memory_space<vmem_shared>>
        tpu.enqueue_indirect_dma source(%arg9 : memref<128x128xf32, #tpu.memory_space<vmem>>) target(%dma_start3A_33 : memref<10240x128xf32, #tpu.memory_space<vmem_shared>>) offsets(%dma_start3A_30 : memref<128xi32, #tpu.memory_space<vmem>>) semaphore(%run_scoped3A : memref<!tpu.dma_semaphore, #tpu.memory_space<semaphore_mem>>) {add = true}
        %dma_wait3A_34 = arith.constant 0 : i32
        %dma_wait3A_35 = tpu.memref_slice %arg8[%scan3A_17, %dma_wait3A_34] : memref<79x128xi32, #tpu.memory_space<vmem>> -> memref<1x128xi32, #tpu.memory_space<vmem>>
        %dma_wait3A_36 = tpu.memref_squeeze %dma_wait3A_35 : memref<1x128xi32, #tpu.memory_space<vmem>> -> memref<128xi32, #tpu.memory_space<vmem>>
        %dma_wait3A_37 = arith.constant 0 : i32
        %dma_wait3A_38 = arith.constant 0 : i32
        %dma_wait3A_39 = tpu.memref_slice %arg11[%dma_wait3A_37, %dma_wait3A_38] : memref<10240x128xf32, #tpu.memory_space<vmem_shared>> -> memref<10240x128xf32, #tpu.memory_space<vmem_shared>>
        tpu.wait_indirect_dma semaphore(%run_scoped3A : memref<!tpu.dma_semaphore, #tpu.memory_space<semaphore_mem>>) src(%arg9 : memref<128x128xf32, #tpu.memory_space<vmem>>) dst(%dma_wait3A_39 : memref<10240x128xf32, #tpu.memory_space<vmem_shared>>)
        tpu.yield
      }) : () -> ()
    }
    %scan3A_8 = arith.constant 79 : i32
    %barrier3A_9 = arith.constant 0 : index
    tpu.barrier barrier_id(%barrier3A_9)
    %mul3A_10 = arith.constant 640 : i32
    %mul3A_11 = arith.muli %arg1, %mul3A_10 : i32
    %mul3A_12 = arith.constant 10240 : i32
    %mul3A_13 = arith.muli %add3A_1, %mul3A_12 : i32
    %mul3A_14 = arith.constant 640 : i32
    %mul3A_15 = arith.muli %arg1, %mul3A_14 : i32
    %add3A_16 = arith.addi %mul3A_13, %mul3A_15 : i32
    "tpu.region"() ({
      %run_scoped3A = tpu.sem_alloc : memref<!tpu.dma_semaphore, #tpu.memory_space<semaphore_mem>>
      %dma_start3A = arith.constant 0 : i32
      %dma_start3A_17 = tpu.memref_slice %arg6[%add3A_16, %dma_start3A] : memref<20480x128xf32, #tpu.memory_space<hbm>> -> memref<640x128xf32, #tpu.memory_space<hbm>>
      %dma_start3A_18 = arith.constant 0 : i32
      %dma_start3A_19 = tpu.memref_slice %arg11[%mul3A_11, %dma_start3A_18] : memref<10240x128xf32, #tpu.memory_space<vmem_shared>> -> memref<640x128xf32, #tpu.memory_space<vmem_shared>>
      tpu.enqueue_dma source(%dma_start3A_19 : memref<640x128xf32, #tpu.memory_space<vmem_shared>>) target(%dma_start3A_17 : memref<640x128xf32, #tpu.memory_space<hbm>>) target_semaphore(%run_scoped3A : memref<!tpu.dma_semaphore, #tpu.memory_space<semaphore_mem>>)
      %dma_wait3A = arith.constant 0 : i32
      %dma_wait3A_20 = tpu.memref_slice %arg6[%add3A_16, %dma_wait3A] : memref<20480x128xf32, #tpu.memory_space<hbm>> -> memref<640x128xf32, #tpu.memory_space<hbm>>
      %dma_wait3A_21 = arith.constant 0 : i32
      %dma_wait3A_22 = tpu.memref_slice %arg11[%mul3A_11, %dma_wait3A_21] : memref<10240x128xf32, #tpu.memory_space<vmem_shared>> -> memref<640x128xf32, #tpu.memory_space<vmem_shared>>
      tpu.wait_dma2 semaphore(%run_scoped3A : memref<!tpu.dma_semaphore, #tpu.memory_space<semaphore_mem>>) src(%dma_wait3A_22 : memref<640x128xf32, #tpu.memory_space<vmem_shared>>) dst(%dma_wait3A_20 : memref<640x128xf32, #tpu.memory_space<hbm>>)
      tpu.yield
    }) : () -> ()
    return
  }
}

module attributes {stable_mosaic.version = 14 : i64} {
  func.func @_y1_body(%arg0: i32, %arg1: i32, %arg2: memref<2000x256xf32, #tpu.memory_space<vmem>>, %arg3: memref<256x128xf32, #tpu.memory_space<vmem>>, %arg4: memref<2x2000x128xf32, #tpu.memory_space<vmem>>, %arg5: memref<1x2000x128xf32, #tpu.memory_space<vmem>>) attributes {dimension_semantics = [#tpu.dimension_semantics<arbitrary>, #tpu.dimension_semantics<arbitrary>], iteration_bounds = array<i64: 4, 5>, scalar_prefetch = 0 : i64, scratch_operands = 0 : i64, tpu.core_type = #tpu.core_type<tc>, window_params = [{transform_indices = @transform_0, window_bounds = array<i64: 2000, 256>}, {transform_indices = @transform_1, window_bounds = array<i64: 256, 128>}, {transform_indices = @transform_2, window_bounds = array<i64: 2, 2000, 128>}, {transform_indices = @transform_3, window_bounds = array<i64: 1, 2000, 128>}]} {
    %get3A = arith.constant 0 : index
    %get3A_0 = arith.constant 0 : index
    %get3A_1 = arith.constant 0 : index
    %get3A_2 = vector.load %arg4[%get3A, %get3A_0, %get3A_1] : memref<2x2000x128xf32, #tpu.memory_space<vmem>>, vector<1x2000x1xf32>
    %get3A_3 = vector.shape_cast %get3A_2 : vector<1x2000x1xf32> to vector<2000x1xf32>
    %get3A_4 = arith.constant 1 : index
    %get3A_5 = arith.constant 0 : index
    %get3A_6 = arith.constant 0 : index
    %get3A_7 = vector.load %arg4[%get3A_4, %get3A_5, %get3A_6] : memref<2x2000x128xf32, #tpu.memory_space<vmem>>, vector<1x2000x1xf32>
    %get3A_8 = vector.shape_cast %get3A_7 : vector<1x2000x1xf32> to vector<2000x1xf32>
    %add3A = arith.addf %get3A_3, %get3A_8 : vector<2000x1xf32>
    %add3A_9 = arith.constant 1.000000e+00 : f32
    %add3A_10 = vector.broadcast %add3A_9 : f32 to vector<2000x1xf32>
    %add3A_11 = arith.addf %add3A, %add3A_10 : vector<2000x1xf32>
    %rsqrt3A = math.rsqrt %add3A_11 : vector<2000x1xf32>
    %get3A_12 = arith.constant 0 : index
    %get3A_13 = arith.constant 0 : index
    %get3A_14 = vector.load %arg2[%get3A_12, %get3A_13] : memref<2000x256xf32, #tpu.memory_space<vmem>>, vector<2000x256xf32>
    %get3A_15 = arith.constant 0 : index
    %get3A_16 = arith.constant 0 : index
    %get3A_17 = vector.load %arg3[%get3A_15, %get3A_16] : memref<256x128xf32, #tpu.memory_space<vmem>>, vector<256x128xf32>
    %dot_general3A = arith.constant dense<0.000000e+00> : vector<2000x128xf32>
    %dot_general3A_18 = tpu.matmul %get3A_14, %get3A_17, %dot_general3A {dimension_numbers = #tpu.dot_dimension_numbers<[1], [0], [0], [1], [0, 0, 1, 1], [], []>, transpose_lhs_hint = false} : vector<2000x256xf32>, vector<256x128xf32>, vector<2000x128xf32> -> vector<2000x128xf32>
    %mul3A = vector.broadcast %rsqrt3A : vector<2000x1xf32> to vector<2000x128xf32>
    %mul3A_19 = arith.mulf %dot_general3A_18, %mul3A : vector<2000x128xf32>
    %swap3A = arith.constant 0 : index
    %swap3A_20 = arith.constant 0 : index
    %swap3A_21 = arith.constant 0 : index
    %swap3A_22 = vector.load %arg5[%swap3A, %swap3A_20, %swap3A_21] : memref<1x2000x128xf32, #tpu.memory_space<vmem>>, vector<1x2000x128xf32>
    %swap3A_23 = vector.shape_cast %swap3A_22 : vector<1x2000x128xf32> to vector<2000x128xf32>
    %swap3A_24 = vector.shape_cast %mul3A_19 : vector<2000x128xf32> to vector<1x2000x128xf32>
    tpu.vector_store %arg5[%swap3A, %swap3A_20, %swap3A_21], %swap3A_24 {strides = array<i32>} : memref<1x2000x128xf32, #tpu.memory_space<vmem>>, vector<1x2000x128xf32>,
    return
  }
  func.func @transform_0(%arg0: i32, %arg1: i32) -> (i32, i32) {
    %c0_i32 = arith.constant 0 : i32
    %c0_i32_0 = arith.constant 0 : i32
    return %arg1, %c0_i32 : i32, i32
  }
  func.func @transform_1(%arg0: i32, %arg1: i32) -> (i32, i32) {
    %c0_i32 = arith.constant 0 : i32
    %c0_i32_0 = arith.constant 0 : i32
    return %c0_i32, %arg0 : i32, i32
  }
  func.func @transform_2(%arg0: i32, %arg1: i32) -> (i32, i32, i32) {
    %c0_i32 = arith.constant 0 : i32
    %c0_i32_0 = arith.constant 0 : i32
    %c0_i32_1 = arith.constant 0 : i32
    return %c0_i32, %arg1, %c0_i32_0 : i32, i32, i32
  }
  func.func @transform_3(%arg0: i32, %arg1: i32) -> (i32, i32, i32) {
    %c0_i32 = arith.constant 0 : i32
    %c0_i32_0 = arith.constant 0 : i32
    return %arg0, %arg1, %c0_i32 : i32, i32, i32
  }
}

module attributes {stable_mosaic.version = 14 : i64} {
  func.func @_y2_body(%arg0: i32, %arg1: memref<4x2000x128xf32, #tpu.memory_space<vmem>>, %arg2: memref<4x2000x128xf32, #tpu.memory_space<vmem>>, %arg3: memref<2x2000x128xf32, #tpu.memory_space<vmem>>, %arg4: memref<512xf32, #tpu.memory_space<vmem>>, %arg5: memref<512x256xf32, #tpu.memory_space<vmem>>, %arg6: memref<2x2000x128xf32, #tpu.memory_space<vmem>>) attributes {dimension_semantics = [#tpu.dimension_semantics<arbitrary>], iteration_bounds = array<i64: 5>, scalar_prefetch = 0 : i64, scratch_operands = 0 : i64, tpu.core_type = #tpu.core_type<tc>, window_params = [{transform_indices = @transform_0, window_bounds = array<i64: 4, 2000, 128>}, {transform_indices = @transform_1, window_bounds = array<i64: 4, 2000, 128>}, {transform_indices = @transform_2, window_bounds = array<i64: 2, 2000, 128>}, {pipeline_mode = #tpu.pipeline_mode<synchronous>, transform_indices = @transform_3, window_bounds = array<i64: 512>}, {pipeline_mode = #tpu.pipeline_mode<synchronous>, transform_indices = @transform_4, window_bounds = array<i64: 512, 256>}, {transform_indices = @transform_5, window_bounds = array<i64: 2, 2000, 128>}]} {
    %get3A = arith.constant 0 : index
    %get3A_0 = arith.constant 0 : index
    %get3A_1 = arith.constant 0 : index
    %get3A_2 = vector.load %arg3[%get3A, %get3A_0, %get3A_1] : memref<2x2000x128xf32, #tpu.memory_space<vmem>>, vector<1x2000x1xf32>
    %get3A_3 = vector.shape_cast %get3A_2 : vector<1x2000x1xf32> to vector<2000x1xf32>
    %get3A_4 = arith.constant 1 : index
    %get3A_5 = arith.constant 0 : index
    %get3A_6 = arith.constant 0 : index
    %get3A_7 = vector.load %arg3[%get3A_4, %get3A_5, %get3A_6] : memref<2x2000x128xf32, #tpu.memory_space<vmem>>, vector<1x2000x1xf32>
    %get3A_8 = vector.shape_cast %get3A_7 : vector<1x2000x1xf32> to vector<2000x1xf32>
    %add3A = arith.addf %get3A_3, %get3A_8 : vector<2000x1xf32>
    %add3A_9 = arith.constant 1.000000e+00 : f32
    %add3A_10 = vector.broadcast %add3A_9 : f32 to vector<2000x1xf32>
    %add3A_11 = arith.addf %add3A, %add3A_10 : vector<2000x1xf32>
    %rsqrt3A = math.rsqrt %add3A_11 : vector<2000x1xf32>
    %broadcast_in_dim3A = arith.constant 0.000000e+00 : f32
    %broadcast_in_dim3A_12 = vector.broadcast %broadcast_in_dim3A : f32 to vector<2000x256xf32>
    %get3A_13 = arith.constant 0 : index
    %get3A_14 = arith.constant 0 : index
    %get3A_15 = arith.constant 0 : index
    %get3A_16 = vector.load %arg1[%get3A_13, %get3A_14, %get3A_15] : memref<4x2000x128xf32, #tpu.memory_space<vmem>>, vector<1x2000x128xf32>
    %get3A_17 = vector.shape_cast %get3A_16 : vector<1x2000x128xf32> to vector<2000x128xf32>
    %get3A_18 = arith.constant 0 : index
    %get3A_19 = arith.constant 0 : index
    %get3A_20 = arith.constant 0 : index
    %get3A_21 = vector.load %arg2[%get3A_18, %get3A_19, %get3A_20] : memref<4x2000x128xf32, #tpu.memory_space<vmem>>, vector<1x2000x128xf32>
    %get3A_22 = vector.shape_cast %get3A_21 : vector<1x2000x128xf32> to vector<2000x128xf32>
    %add3A_23 = arith.addf %get3A_17, %get3A_22 : vector<2000x128xf32>
    %mul3A = vector.broadcast %rsqrt3A : vector<2000x1xf32> to vector<2000x128xf32>
    %mul3A_24 = arith.mulf %mul3A, %add3A_23 : vector<2000x128xf32>
    %get3A_25 = arith.constant 0 : index
    %get3A_26 = vector.load %arg4[%get3A_25] : memref<512xf32, #tpu.memory_space<vmem>>, vector<128xf32>
    %broadcast_in_dim3A_27 = vector.shape_cast %get3A_26 : vector<128xf32> to vector<1x128xf32>
    %add3A_28 = vector.broadcast %broadcast_in_dim3A_27 : vector<1x128xf32> to vector<2000x128xf32>
    %add3A_29 = arith.addf %mul3A_24, %add3A_28 : vector<2000x128xf32>
    %max3A = arith.constant 0.000000e+00 : f32
    %max3A_30 = vector.broadcast %max3A : f32 to vector<2000x128xf32>
    %max3A_31 = arith.maximumf %add3A_29, %max3A_30 : vector<2000x128xf32>
    %get3A_32 = arith.constant 0 : index
    %get3A_33 = arith.constant 0 : index
    %get3A_34 = vector.load %arg5[%get3A_32, %get3A_33] : memref<512x256xf32, #tpu.memory_space<vmem>>, vector<128x256xf32>
    %dot_general3A = arith.constant dense<0.000000e+00> : vector<2000x256xf32>
    %dot_general3A_35 = tpu.matmul %max3A_31, %get3A_34, %dot_general3A {dimension_numbers = #tpu.dot_dimension_numbers<[1], [0], [0], [1], [0, 0, 1, 1], [], []>, transpose_lhs_hint = false} : vector<2000x128xf32>, vector<128x256xf32>, vector<2000x256xf32> -> vector<2000x256xf32>
    %add3A_36 = arith.addf %broadcast_in_dim3A_12, %dot_general3A_35 : vector<2000x256xf32>
    %get3A_37 = arith.constant 1 : index
    %get3A_38 = arith.constant 0 : index
    %get3A_39 = arith.constant 0 : index
    %get3A_40 = vector.load %arg1[%get3A_37, %get3A_38, %get3A_39] : memref<4x2000x128xf32, #tpu.memory_space<vmem>>, vector<1x2000x128xf32>
    %get3A_41 = vector.shape_cast %get3A_40 : vector<1x2000x128xf32> to vector<2000x128xf32>
    %get3A_42 = arith.constant 1 : index
    %get3A_43 = arith.constant 0 : index
    %get3A_44 = arith.constant 0 : index
    %get3A_45 = vector.load %arg2[%get3A_42, %get3A_43, %get3A_44] : memref<4x2000x128xf32, #tpu.memory_space<vmem>>, vector<1x2000x128xf32>
    %get3A_46 = vector.shape_cast %get3A_45 : vector<1x2000x128xf32> to vector<2000x128xf32>
    %add3A_47 = arith.addf %get3A_41, %get3A_46 : vector<2000x128xf32>
    %mul3A_48 = vector.broadcast %rsqrt3A : vector<2000x1xf32> to vector<2000x128xf32>
    %mul3A_49 = arith.mulf %mul3A_48, %add3A_47 : vector<2000x128xf32>
    %get3A_50 = arith.constant 128 : index
    %get3A_51 = vector.load %arg4[%get3A_50] : memref<512xf32, #tpu.memory_space<vmem>>, vector<128xf32>
    %broadcast_in_dim3A_52 = vector.shape_cast %get3A_51 : vector<128xf32> to vector<1x128xf32>
    %add3A_53 = vector.broadcast %broadcast_in_dim3A_52 : vector<1x128xf32> to vector<2000x128xf32>
    %add3A_54 = arith.addf %mul3A_49, %add3A_53 : vector<2000x128xf32>
    %max3A_55 = arith.constant 0.000000e+00 : f32
    %max3A_56 = vector.broadcast %max3A_55 : f32 to vector<2000x128xf32>
    %max3A_57 = arith.maximumf %add3A_54, %max3A_56 : vector<2000x128xf32>
    %get3A_58 = arith.constant 128 : index
    %get3A_59 = arith.constant 0 : index
    %get3A_60 = vector.load %arg5[%get3A_58, %get3A_59] : memref<512x256xf32, #tpu.memory_space<vmem>>, vector<128x256xf32>
    %dot_general3A_61 = arith.constant dense<0.000000e+00> : vector<2000x256xf32>
    %dot_general3A_62 = tpu.matmul %max3A_57, %get3A_60, %dot_general3A_61 {dimension_numbers = #tpu.dot_dimension_numbers<[1], [0], [0], [1], [0, 0, 1, 1], [], []>, transpose_lhs_hint = false} : vector<2000x128xf32>, vector<128x256xf32>, vector<2000x256xf32> -> vector<2000x256xf32>
    %add3A_63 = arith.addf %add3A_36, %dot_general3A_62 : vector<2000x256xf32>
    %get3A_64 = arith.constant 2 : index
    %get3A_65 = arith.constant 0 : index
    %get3A_66 = arith.constant 0 : index
    %get3A_67 = vector.load %arg1[%get3A_64, %get3A_65, %get3A_66] : memref<4x2000x128xf32, #tpu.memory_space<vmem>>, vector<1x2000x128xf32>
    %get3A_68 = vector.shape_cast %get3A_67 : vector<1x2000x128xf32> to vector<2000x128xf32>
    %get3A_69 = arith.constant 2 : index
    %get3A_70 = arith.constant 0 : index
    %get3A_71 = arith.constant 0 : index
    %get3A_72 = vector.load %arg2[%get3A_69, %get3A_70, %get3A_71] : memref<4x2000x128xf32, #tpu.memory_space<vmem>>, vector<1x2000x128xf32>
    %get3A_73 = vector.shape_cast %get3A_72 : vector<1x2000x128xf32> to vector<2000x128xf32>
    %add3A_74 = arith.addf %get3A_68, %get3A_73 : vector<2000x128xf32>
    %mul3A_75 = vector.broadcast %rsqrt3A : vector<2000x1xf32> to vector<2000x128xf32>
    %mul3A_76 = arith.mulf %mul3A_75, %add3A_74 : vector<2000x128xf32>
    %get3A_77 = arith.constant 256 : index
    %get3A_78 = vector.load %arg4[%get3A_77] : memref<512xf32, #tpu.memory_space<vmem>>, vector<128xf32>
    %broadcast_in_dim3A_79 = vector.shape_cast %get3A_78 : vector<128xf32> to vector<1x128xf32>
    %add3A_80 = vector.broadcast %broadcast_in_dim3A_79 : vector<1x128xf32> to vector<2000x128xf32>
    %add3A_81 = arith.addf %mul3A_76, %add3A_80 : vector<2000x128xf32>
    %max3A_82 = arith.constant 0.000000e+00 : f32
    %max3A_83 = vector.broadcast %max3A_82 : f32 to vector<2000x128xf32>
    %max3A_84 = arith.maximumf %add3A_81, %max3A_83 : vector<2000x128xf32>
    %get3A_85 = arith.constant 256 : index
    %get3A_86 = arith.constant 0 : index
    %get3A_87 = vector.load %arg5[%get3A_85, %get3A_86] : memref<512x256xf32, #tpu.memory_space<vmem>>, vector<128x256xf32>
    %dot_general3A_88 = arith.constant dense<0.000000e+00> : vector<2000x256xf32>
    %dot_general3A_89 = tpu.matmul %max3A_84, %get3A_87, %dot_general3A_88 {dimension_numbers = #tpu.dot_dimension_numbers<[1], [0], [0], [1], [0, 0, 1, 1], [], []>, transpose_lhs_hint = false} : vector<2000x128xf32>, vector<128x256xf32>, vector<2000x256xf32> -> vector<2000x256xf32>
    %add3A_90 = arith.addf %add3A_63, %dot_general3A_89 : vector<2000x256xf32>
    %get3A_91 = arith.constant 3 : index
    %get3A_92 = arith.constant 0 : index
    %get3A_93 = arith.constant 0 : index
    %get3A_94 = vector.load %arg1[%get3A_91, %get3A_92, %get3A_93] : memref<4x2000x128xf32, #tpu.memory_space<vmem>>, vector<1x2000x128xf32>
    %get3A_95 = vector.shape_cast %get3A_94 : vector<1x2000x128xf32> to vector<2000x128xf32>
    %get3A_96 = arith.constant 3 : index
    %get3A_97 = arith.constant 0 : index
    %get3A_98 = arith.constant 0 : index
    %get3A_99 = vector.load %arg2[%get3A_96, %get3A_97, %get3A_98] : memref<4x2000x128xf32, #tpu.memory_space<vmem>>, vector<1x2000x128xf32>
    %get3A_100 = vector.shape_cast %get3A_99 : vector<1x2000x128xf32> to vector<2000x128xf32>
    %add3A_101 = arith.addf %get3A_95, %get3A_100 : vector<2000x128xf32>
    %mul3A_102 = vector.broadcast %rsqrt3A : vector<2000x1xf32> to vector<2000x128xf32>
    %mul3A_103 = arith.mulf %mul3A_102, %add3A_101 : vector<2000x128xf32>
    %get3A_104 = arith.constant 384 : index
    %get3A_105 = vector.load %arg4[%get3A_104] : memref<512xf32, #tpu.memory_space<vmem>>, vector<128xf32>
    %broadcast_in_dim3A_106 = vector.shape_cast %get3A_105 : vector<128xf32> to vector<1x128xf32>
    %add3A_107 = vector.broadcast %broadcast_in_dim3A_106 : vector<1x128xf32> to vector<2000x128xf32>
    %add3A_108 = arith.addf %mul3A_103, %add3A_107 : vector<2000x128xf32>
    %max3A_109 = arith.constant 0.000000e+00 : f32
    %max3A_110 = vector.broadcast %max3A_109 : f32 to vector<2000x128xf32>
    %max3A_111 = arith.maximumf %add3A_108, %max3A_110 : vector<2000x128xf32>
    %get3A_112 = arith.constant 384 : index
    %get3A_113 = arith.constant 0 : index
    %get3A_114 = vector.load %arg5[%get3A_112, %get3A_113] : memref<512x256xf32, #tpu.memory_space<vmem>>, vector<128x256xf32>
    %dot_general3A_115 = arith.constant dense<0.000000e+00> : vector<2000x256xf32>
    %dot_general3A_116 = tpu.matmul %max3A_111, %get3A_114, %dot_general3A_115 {dimension_numbers = #tpu.dot_dimension_numbers<[1], [0], [0], [1], [0, 0, 1, 1], [], []>, transpose_lhs_hint = false} : vector<2000x128xf32>, vector<128x256xf32>, vector<2000x256xf32> -> vector<2000x256xf32>
    %add3A_117 = arith.addf %add3A_90, %dot_general3A_116 : vector<2000x256xf32>
    %mul3A_118 = vector.broadcast %rsqrt3A : vector<2000x1xf32> to vector<2000x256xf32>
    %mul3A_119 = arith.mulf %mul3A_118, %add3A_117 : vector<2000x256xf32>
    %slice3A = vector.extract_strided_slice %mul3A_119 {offsets = [0, 0], sizes = [2000, 128], strides = [1, 1]} : vector<2000x256xf32> to vector<2000x128xf32>
    %swap3A = arith.constant 0 : index
    %swap3A_120 = arith.constant 0 : index
    %swap3A_121 = arith.constant 0 : index
    %swap3A_122 = vector.load %arg6[%swap3A, %swap3A_120, %swap3A_121] : memref<2x2000x128xf32, #tpu.memory_space<vmem>>, vector<1x2000x128xf32>
    %swap3A_123 = vector.shape_cast %swap3A_122 : vector<1x2000x128xf32> to vector<2000x128xf32>
    %swap3A_124 = vector.shape_cast %slice3A : vector<2000x128xf32> to vector<1x2000x128xf32>
    tpu.vector_store %arg6[%swap3A, %swap3A_120, %swap3A_121], %swap3A_124 {strides = array<i32>} : memref<2x2000x128xf32, #tpu.memory_space<vmem>>, vector<1x2000x128xf32>,
    %slice3A_125 = vector.extract_strided_slice %mul3A_119 {offsets = [0, 128], sizes = [2000, 128], strides = [1, 1]} : vector<2000x256xf32> to vector<2000x128xf32>
    %swap3A_126 = arith.constant 1 : index
    %swap3A_127 = arith.constant 0 : index
    %swap3A_128 = arith.constant 0 : index
    %swap3A_129 = vector.load %arg6[%swap3A_126, %swap3A_127, %swap3A_128] : memref<2x2000x128xf32, #tpu.memory_space<vmem>>, vector<1x2000x128xf32>
    %swap3A_130 = vector.shape_cast %swap3A_129 : vector<1x2000x128xf32> to vector<2000x128xf32>
    %swap3A_131 = vector.shape_cast %slice3A_125 : vector<2000x128xf32> to vector<1x2000x128xf32>
    tpu.vector_store %arg6[%swap3A_126, %swap3A_127, %swap3A_128], %swap3A_131 {strides = array<i32>} : memref<2x2000x128xf32, #tpu.memory_space<vmem>>, vector<1x2000x128xf32>,
    return
  }
  func.func @transform_0(%arg0: i32) -> (i32, i32, i32) {
    %c0_i32 = arith.constant 0 : i32
    %c0_i32_0 = arith.constant 0 : i32
    %c0_i32_1 = arith.constant 0 : i32
    return %c0_i32, %arg0, %c0_i32_0 : i32, i32, i32
  }
  func.func @transform_1(%arg0: i32) -> (i32, i32, i32) {
    %c0_i32 = arith.constant 0 : i32
    %c0_i32_0 = arith.constant 0 : i32
    %c0_i32_1 = arith.constant 0 : i32
    return %c0_i32, %arg0, %c0_i32_0 : i32, i32, i32
  }
  func.func @transform_2(%arg0: i32) -> (i32, i32, i32) {
    %c0_i32 = arith.constant 0 : i32
    %c0_i32_0 = arith.constant 0 : i32
    %c0_i32_1 = arith.constant 0 : i32
    return %c0_i32, %arg0, %c0_i32_0 : i32, i32, i32
  }
  func.func @transform_3(%arg0: i32) -> i32 {
    %c0_i32 = arith.constant 0 : i32
    %c0_i32_0 = arith.constant 0 : i32
    return %c0_i32 : i32
  }
  func.func @transform_4(%arg0: i32) -> (i32, i32) {
    %c0_i32 = arith.constant 0 : i32
    %c0_i32_0 = arith.constant 0 : i32
    %c0_i32_1 = arith.constant 0 : i32
    return %c0_i32, %c0_i32_0 : i32, i32
  }
  func.func @transform_5(%arg0: i32) -> (i32, i32, i32) {
    %c0_i32 = arith.constant 0 : i32
    %c0_i32_0 = arith.constant 0 : i32
    %c0_i32_1 = arith.constant 0 : i32
    return %c0_i32, %arg0, %c0_i32_0 : i32, i32, i32
  }
}

module attributes {stable_mosaic.version = 14 : i64} {
  func.func @_out_body(%arg0: i32, %arg1: memref<2x2000x128xf32, #tpu.memory_space<vmem>>, %arg2: memref<2x2000x128xf32, #tpu.memory_space<vmem>>, %arg3: memref<2x2000x128xf32, #tpu.memory_space<vmem>>, %arg4: memref<256xf32, #tpu.memory_space<vmem>>, %arg5: memref<2000x256xf32, #tpu.memory_space<vmem>>) attributes {dimension_semantics = [#tpu.dimension_semantics<arbitrary>], iteration_bounds = array<i64: 5>, scalar_prefetch = 0 : i64, scratch_operands = 0 : i64, tpu.core_type = #tpu.core_type<tc>, window_params = [{transform_indices = @transform_0, window_bounds = array<i64: 2, 2000, 128>}, {transform_indices = @transform_1, window_bounds = array<i64: 2, 2000, 128>}, {transform_indices = @transform_2, window_bounds = array<i64: 2, 2000, 128>}, {pipeline_mode = #tpu.pipeline_mode<synchronous>, transform_indices = @transform_3, window_bounds = array<i64: 256>}, {transform_indices = @transform_4, window_bounds = array<i64: 2000, 256>}]} {
    %get3A = arith.constant 0 : index
    %get3A_0 = arith.constant 0 : index
    %get3A_1 = arith.constant 0 : index
    %get3A_2 = vector.load %arg3[%get3A, %get3A_0, %get3A_1] : memref<2x2000x128xf32, #tpu.memory_space<vmem>>, vector<1x2000x1xf32>
    %get3A_3 = vector.shape_cast %get3A_2 : vector<1x2000x1xf32> to vector<2000x1xf32>
    %get3A_4 = arith.constant 1 : index
    %get3A_5 = arith.constant 0 : index
    %get3A_6 = arith.constant 0 : index
    %get3A_7 = vector.load %arg3[%get3A_4, %get3A_5, %get3A_6] : memref<2x2000x128xf32, #tpu.memory_space<vmem>>, vector<1x2000x1xf32>
    %get3A_8 = vector.shape_cast %get3A_7 : vector<1x2000x1xf32> to vector<2000x1xf32>
    %add3A = arith.addf %get3A_3, %get3A_8 : vector<2000x1xf32>
    %add3A_9 = arith.constant 1.000000e+00 : f32
    %add3A_10 = vector.broadcast %add3A_9 : f32 to vector<2000x1xf32>
    %add3A_11 = arith.addf %add3A, %add3A_10 : vector<2000x1xf32>
    %rsqrt3A = math.rsqrt %add3A_11 : vector<2000x1xf32>
    %get3A_12 = arith.constant 0 : index
    %get3A_13 = arith.constant 0 : index
    %get3A_14 = arith.constant 0 : index
    %get3A_15 = vector.load %arg1[%get3A_12, %get3A_13, %get3A_14] : memref<2x2000x128xf32, #tpu.memory_space<vmem>>, vector<1x2000x128xf32>
    %get3A_16 = vector.shape_cast %get3A_15 : vector<1x2000x128xf32> to vector<2000x128xf32>
    %get3A_17 = arith.constant 0 : index
    %get3A_18 = arith.constant 0 : index
    %get3A_19 = arith.constant 0 : index
    %get3A_20 = vector.load %arg2[%get3A_17, %get3A_18, %get3A_19] : memref<2x2000x128xf32, #tpu.memory_space<vmem>>, vector<1x2000x128xf32>
    %get3A_21 = vector.shape_cast %get3A_20 : vector<1x2000x128xf32> to vector<2000x128xf32>
    %add3A_22 = arith.addf %get3A_16, %get3A_21 : vector<2000x128xf32>
    %mul3A = vector.broadcast %rsqrt3A : vector<2000x1xf32> to vector<2000x128xf32>
    %mul3A_23 = arith.mulf %mul3A, %add3A_22 : vector<2000x128xf32>
    %get3A_24 = arith.constant 0 : index
    %get3A_25 = vector.load %arg4[%get3A_24] : memref<256xf32, #tpu.memory_space<vmem>>, vector<128xf32>
    %broadcast_in_dim3A = vector.shape_cast %get3A_25 : vector<128xf32> to vector<1x128xf32>
    %add3A_26 = vector.broadcast %broadcast_in_dim3A : vector<1x128xf32> to vector<2000x128xf32>
    %add3A_27 = arith.addf %mul3A_23, %add3A_26 : vector<2000x128xf32>
    %get3A_28 = arith.constant 1 : index
    %get3A_29 = arith.constant 0 : index
    %get3A_30 = arith.constant 0 : index
    %get3A_31 = vector.load %arg1[%get3A_28, %get3A_29, %get3A_30] : memref<2x2000x128xf32, #tpu.memory_space<vmem>>, vector<1x2000x128xf32>
    %get3A_32 = vector.shape_cast %get3A_31 : vector<1x2000x128xf32> to vector<2000x128xf32>
    %get3A_33 = arith.constant 1 : index
    %get3A_34 = arith.constant 0 : index
    %get3A_35 = arith.constant 0 : index
    %get3A_36 = vector.load %arg2[%get3A_33, %get3A_34, %get3A_35] : memref<2x2000x128xf32, #tpu.memory_space<vmem>>, vector<1x2000x128xf32>
    %get3A_37 = vector.shape_cast %get3A_36 : vector<1x2000x128xf32> to vector<2000x128xf32>
    %add3A_38 = arith.addf %get3A_32, %get3A_37 : vector<2000x128xf32>
    %mul3A_39 = vector.broadcast %rsqrt3A : vector<2000x1xf32> to vector<2000x128xf32>
    %mul3A_40 = arith.mulf %mul3A_39, %add3A_38 : vector<2000x128xf32>
    %get3A_41 = arith.constant 128 : index
    %get3A_42 = vector.load %arg4[%get3A_41] : memref<256xf32, #tpu.memory_space<vmem>>, vector<128xf32>
    %broadcast_in_dim3A_43 = vector.shape_cast %get3A_42 : vector<128xf32> to vector<1x128xf32>
    %add3A_44 = vector.broadcast %broadcast_in_dim3A_43 : vector<1x128xf32> to vector<2000x128xf32>
    %add3A_45 = arith.addf %mul3A_40, %add3A_44 : vector<2000x128xf32>
    %concatenate3A = tpu.concatenate %add3A_27, %add3A_45 in 1 : vector<2000x128xf32>, vector<2000x128xf32> -> vector<2000x256xf32>
    %swap3A = arith.constant 0 : index
    %swap3A_46 = arith.constant 0 : index
    %swap3A_47 = vector.load %arg5[%swap3A, %swap3A_46] : memref<2000x256xf32, #tpu.memory_space<vmem>>, vector<2000x256xf32>
    tpu.vector_store %arg5[%swap3A, %swap3A_46], %concatenate3A {strides = array<i32>} : memref<2000x256xf32, #tpu.memory_space<vmem>>, vector<2000x256xf32>,
    return
  }
  func.func @transform_0(%arg0: i32) -> (i32, i32, i32) {
    %c0_i32 = arith.constant 0 : i32
    %c0_i32_0 = arith.constant 0 : i32
    %c0_i32_1 = arith.constant 0 : i32
    return %c0_i32, %arg0, %c0_i32_0 : i32, i32, i32
  }
  func.func @transform_1(%arg0: i32) -> (i32, i32, i32) {
    %c0_i32 = arith.constant 0 : i32
    %c0_i32_0 = arith.constant 0 : i32
    %c0_i32_1 = arith.constant 0 : i32
    return %c0_i32, %arg0, %c0_i32_0 : i32, i32, i32
  }
  func.func @transform_2(%arg0: i32) -> (i32, i32, i32) {
    %c0_i32 = arith.constant 0 : i32
    %c0_i32_0 = arith.constant 0 : i32
    %c0_i32_1 = arith.constant 0 : i32
    return %c0_i32, %arg0, %c0_i32_0 : i32, i32, i32
  }
  func.func @transform_3(%arg0: i32) -> i32 {
    %c0_i32 = arith.constant 0 : i32
    %c0_i32_0 = arith.constant 0 : i32
    return %c0_i32 : i32
  }
  func.func @transform_4(%arg0: i32) -> (i32, i32) {
    %c0_i32 = arith.constant 0 : i32
    %c0_i32_0 = arith.constant 0 : i32
    return %arg0, %c0_i32 : i32, i32
  }
}

</mosaic_0001>

<sc_bundles>
// kernel: kernel.11.cloned.1.call-start
scs
__scs_entry_jumppad:
0x0: {  	(pc) =	sbr.rel $0x88, $3  }
0x1: {  	(tag) =	ssettag $0x0;
	lr =	simm.s32 $0x1  }
0x2: {  	[smem:$0x3F9B] =	sst lr;
	_ =	strace $0xD0000000  }
0x3: {  	_ = 	snop  }
0x4: {  	_ = 	snop  }
0x5: {  	_ = 	snop  }
0x6: {  	_ = 	snop  }
0x7: {  	_ = 	snop  }
__scs_overlays_trampoline_lowered:
0x8: {  	[smem:$0x3FAA] =	sst s0  }
0x9: {  	[smem:$0x3FAB] =	sst s1  }
0xa: {  	[smem:$0x3FAC] =	sst s2  }
0xb: {  	[smem:$0x3FAD] =	sst s3  }
0xc: {  	[smem:$0x3FAE] =	sst s4  }
0xd: {  	[smem:$0x3FAF] =	sst s5  }
0xe: {  	[smem:$0x3FB0] =	sst s6  }
0xf: {  	[smem:$0x3FB1] =	sst s7  }
0x10: {  	[smem:$0x3FB2] =	sst s8  }
0x11: {  	[smem:$0x3FB3] =	sst s9;
	s0 =	simm.s32 @!p0 $0x0  }
0x12: {  	s1 =	sld [smem:$0x3F99];
	s0 =	simm.s32 @p0 $0x1  }
0x13: {  	[smem:$0x3FB4] =	sst s0;
	s0 =	simm.s32 @!p1 $0x0  }
0x14: {  	s2 =	sld [smem:$0x3F98];
	s0 =	simm.s32 @p1 $0x1  }
0x15: {  	[smem:$0x3FB5] =	sst s0;
	s0 =	simm.s32 @!p2 $0x0  }
0x16: {  	s3 =	sld [smem:$0x3FDB];
	s0 =	simm.s32 @p2 $0x1  }
0x17: {  	s4 =	simm.s32 $0x1BF5;
	[smem:$0x3FB7] =	sst s0  }
0x18: {  	s0 =	sld [smem:$0x3F9A];
	_ =	swait.ge [sflag:s4], $0x0  }
0x19: {  	s7 =	sld [smem:$0x3F9B]  }
0x1a: {  	s8 =	sadd.s32 $0xFFFFE003, lr  }
0x1b: {  	s9 =	sadd.s32 $0xFFFFFEF7, lr;
	s5 =	simm.s32 $0xFFFFFFFF;
	p2 =	slt.u32 s8, $0xFFFFF086  }
0x1c: {  	p1 =	slt.u32 s9, $0xF7A;
	s5 =	simm.s32 @!p2 $0x0  }
0x1d: {  	s5 =	simm.s32 @p1 $0x1;
	p0 =	seq.s32 s7, s2  }
0x1e: {  	s7 =	smul.u32 @!p0 $0xF7A, s2;
	p2 =	seq.s32 @!p0 s5, $0x0  }
0x1f: {  	s9 =	smul.u32 $0xF7A, s1;
	s8 =	simm.s32 @!p0 $0x1BF5;
	p2 =	por !p2, p0  }
0x20: {  	[sflag:s8] =	ssyncset.s32 @!p0 $0xFFFFF086;
	s6 =	sadd.s32 @!p0 s3, s7;
	s7 =	simm.s32 @!p0 $0x108  }
0x21: {  	s3 =	sadd.s32 s3, s9;
	s6 =	sadd.s32 @!p0 $0x88, s6;
	s7 =	simm.s32 @p2 $0x1082  }
0x22: {  	[simem:s7], [sflag:s8] =	dma.local @!p0 [hbm:s6], $0xF7A  }
0x23: {  	s9 =	sor.u32 $0xD0000000, s2;
	s6 =	simm.s32 $0x108;
	_ =	swait.ge @!p0 [sflag:s8], $0x0  }
0x24: {  	s3 =	sadd.s32 $0x88, s3;
	s6 =	simm.s32 @!p1 $0x1082;
	[sflag:s4] =	ssyncset.s32 $0xFFFFF086  }
0x25: {  	[simem:s6], [sflag:s4] =	dma.local [hbm:s3], $0xF7A  }
0x26: {  	[smem:$0x3F9B] =	sst s1;
	(tag) =	ssettag s2;
	_ =	strace s9  }
0x27: {  	s1 =	sld [smem:$0x3FAB]  }
0x28: {  	s2 =	sld [smem:$0x3FAC]  }
0x29: {  	s4 =	sld [smem:$0x3FAE]  }
0x2a: {  	p0 =	seq.s32 s5, $0x0;
	s5 =	sld [smem:$0x3FAF]  }
0x2b: {  	s6 =	sld [smem:$0x3FB0]  }
0x2c: {  	s7 =	sld [smem:$0x3FB1]  }
0x2d: {  	s3 =	simm.s32 $0x108;
	s8 =	sld [smem:$0x3FB2]  }
0x2e: {  	s3 =	simm.s32 @!p0 $0x1082;
	s9 =	sld [smem:$0x3FB3]  }
0x2f: {  	lr =	sadd.s32 s0, s3;
	s0 =	sld [smem:$0x3FAA]  }
0x30: {  	s3 =	sld [smem:$0x3FAD]  }
0x31: {  	[smem:$0x3FB6] =	sst s10  }
0x32: {  	s10 =	sld [smem:$0x3FB4];
	_ =	sdelay $0x3  }
0x33: {  	p0 =	seq.s32 s10, $0x1;
	s10 =	sld [smem:$0x3FB6];
	_ =	sdelay $0x3  }
0x34: {  	[smem:$0x3FB6] =	sst s10  }
0x35: {  	s10 =	sld [smem:$0x3FB5];
	_ =	sdelay $0x3  }
0x36: {  	p1 =	seq.s32 s10, $0x1;
	s10 =	sld [smem:$0x3FB6];
	_ =	sdelay $0x3  }
0x37: {  	[smem:$0x3FB6] =	sst s10  }
0x38: {  	s10 =	sld [smem:$0x3FB7]  }
0x39: {  	_ = 	snop;
	(pc) =	sbr.ind lr, $3  }
0x3a: {  	_ = 	snop  }
0x3b: {  	_ = 	snop  }
0x3c: {  	p2 =	seq.s32 s10, $0x1;
	s10 =	sld [smem:$0x3FB6]  }
0x3d: {  	_ =	shalt  }
0x3e: {  	_ =	shalt  }
0x3f: {  	_ =	shalt  }
0x40: {  	_ =	shalt  }
0x41: {  	_ =	shalt  }
0x42: {  	_ =	shalt  }
0x43: {  	_ =	shalt  }
0x44: {  	_ =	shalt  }
0x45: {  	_ =	shalt  }
0x46: {  	_ =	shalt  }
0x47: {  	_ =	shalt  }
0x48: {  	_ =	shalt  }
0x49: {  	_ =	shalt  }
0x4a: {  	_ =	shalt  }
0x4b: {  	_ =	shalt  }
0x4c: {  	_ =	shalt  }
0x4d: {  	_ =	shalt  }
0x4e: {  	_ =	shalt  }
0x4f: {  	_ =	shalt  }
0x50: {  	_ =	shalt  }
0x51: {  	_ =	shalt  }
0x52: {  	_ =	shalt  }
0x53: {  	_ =	shalt  }
0x54: {  	_ =	shalt  }
0x55: {  	_ =	shalt  }
0x56: {  	_ =	shalt  }
0x57: {  	_ =	shalt  }
0x58: {  	_ =	shalt  }
0x59: {  	_ =	shalt  }
0x5a: {  	_ =	shalt  }
0x5b: {  	_ =	shalt  }
0x5c: {  	_ =	shalt  }
0x5d: {  	_ =	shalt  }
0x5e: {  	_ =	shalt  }
0x5f: {  	_ =	shalt  }
0x60: {  	_ =	shalt  }
0x61: {  	_ =	shalt  }
0x62: {  	_ =	shalt  }
0x63: {  	_ =	shalt  }
0x64: {  	_ =	shalt  }
0x65: {  	_ =	shalt  }
0x66: {  	_ =	shalt  }
0x67: {  	_ =	shalt  }
0x68: {  	_ =	shalt  }
0x69: {  	_ =	shalt  }
0x6a: {  	_ =	shalt  }
0x6b: {  	_ =	shalt  }
0x6c: {  	_ =	shalt  }
0x6d: {  	_ =	shalt  }
0x6e: {  	_ =	shalt  }
0x6f: {  	_ =	shalt  }
0x70: {  	_ =	shalt  }
0x71: {  	_ =	shalt  }
0x72: {  	_ =	shalt  }
0x73: {  	_ =	shalt  }
0x74: {  	_ =	shalt  }
0x75: {  	_ =	shalt  }
0x76: {  	_ =	shalt  }
0x77: {  	_ =	shalt  }
0x78: {  	_ =	shalt  }
0x79: {  	_ =	shalt  }
0x7a: {  	_ =	shalt  }
0x7b: {  	_ =	shalt  }
0x7c: {  	_ =	shalt  }
0x7d: {  	_ =	shalt  }
0x7e: {  	_ =	shalt  }
0x7f: {  	_ =	shalt  }
0x80: {  	_ =	shalt  }
0x81: {  	_ =	shalt  }
0x82: {  	_ =	shalt  }
0x83: {  	_ =	shalt  }
0x84: {  	_ =	shalt  }
0x85: {  	_ =	shalt  }
0x86: {  	_ =	shalt  }
0x87: {  	_ =	shalt  }
.Lfunc_end0:
.L_simem_size_0:
called_computation.1_lowered:
.L_overlay_start_0:
0x88: {  	s2 =	sld [smem:$0x3FD9]  }
0x89: {  	s3 =	sld [smem:$0x3FFE];
	_ =	sdelay $0x1  }
0x8a: {  	s1 =	srdreg.scid  }
0x8b: {  	s0 =	sand.u32 $0x1, s1  }
0x8c: {  	s14 =	sshll.u32 s0, $0xA;
	s2 =	sadd.s32 s3, s2  }
0x8d: {  	s2 =	sadd.s32 s2, s14  }
0x8e: {  	[smem:$0x3FC2] =	sst s2  }
0x8f: {  	_ = 	snop  }
0x90: {  	s2 =	sld [smem:$0x3FD0];
	_ =	sdelay $0x2  }
0x91: {  	s15 =	simm.s32 $0xA;
	s4 =	simm.s32 $0x10  }
0x92: {  	[smem:s4], [sflag:s15] =	dma.local [hbm:s2], $0x1  }
0x93: {  	_ =	swait.eq [sflag:s15], $0x1  }
0x94: {  	[sflag:s15] =	ssyncset.done $0x0  }
0x95: {  	[sflag:s15] =	ssyncadd.s32 $0xFFFFFFFF  }
0x96: {  	s16 =	sld [smem:$0x11];
	(tm) =	ssettm $0x1  }
0x97: {  	s17 =	sld [smem:$0x3FFB];
	_ =	sdelay $0x3  }
0x98: {  	_ =	strace s17  }
0x99: {  	s3 =	sld [smem:$0x3FFC];
	_ =	sdelay $0x3  }
0x9a: {  	_ =	strace s3  }
0x9b: {  	s3 =	sld [smem:$0x3FFD];
	_ =	sdelay $0x3  }
0x9c: {  	_ =	strace s3  }
0x9d: {  	_ =	strace $0x8FFFFFFF  }
0x9e: {  	s18 =	sld [smem:$0x3FDB];
	_ =	sdelay $0x1  }
0x9f: {  	s19 =	simm.s32 $_scs_section_size  }
0xa0: {  	s5 =	simm.s32 $_size__tile_overlayer_lowered;
	s6 =	simm.s32 $_tile_overlayer_lowered  }
0xa1: {  	s22 =	simm.s32 $0x1BFF;
	s21 =	sshll.u32 s6, $0x1;
	s3 =	sadd.s32 s19, s18  }
0xa2: {  	s7 =	simm.s32 $0x0;
	s20 =	sshll.u32 s5, $0x1;
	s5 =	sadd.s32 s21, s3  }
0xa3: {  	[timem:s7], [sflag:s22] =	dma.local [hbm:s5], s20  }
0xa4: {  	_ =	swait.ge [sflag:s22], s20  }
0xa5: {  	s4 =	ssub.s32 $0x0, s20;
	[sflag:s22] =	ssyncset.done $0x0  }
0xa6: {  	[sflag:s22] =	ssyncadd.s32 s4;
	_ =	sdelay $0x1  }
0xa7: {  	s23 =	simm.s32 $0x1B8B  }
0xa8: {  	_ =	swait.ge [sflag:s23], $0x1  }
0xa9: {  	[sflag:s23] =	ssyncset.done $0x0  }
0xaa: {  	s25 =	simm.s32 $0x1B8E;
	s24 =	sld [smem:$0x3FFE];
	[sflag:s23] =	ssyncadd.s32 $0xFFFFFFFF  }
0xab: {  	s26 =	simm.s32 $execute0_lowered;
	[smem:$0x3FD2] =	sst s25  }
0xac: {  	s5 =	sshll.u32 s26, $0x1;
	_ =	strace $0x80000049;
	[dreg:$0x1] =	wrdreg $0xFFFFFFFF  }
0xad: {  	s28 =	simm.s32 $_size_execute0_lowered;
	s3 =	sadd.s32 s3, s5;
	[dreg:$0x0] =	wrdreg $0x0  }
0xae: {  	s5 =	sshll.u32 s28, $0x1;
	[dreg:$0x2] =	wrdreg s3  }
0xaf: {  	[dreg:$0x3] =	wrdreg s5  }
0xb0: {  	[dreg:$0x4] =	wrdreg $0xC0  }
0xb1: {  	_ =	task [dreg:s7], $0x5FFFF  }
0xb2: {  	[dreg:$0x1] =	wrdreg $0xFFFFFFFF  }
0xb3: {  	[dreg:$0x0] =	wrdreg $0x60  }
0xb4: {  	[dreg:$0x2] =	wrdreg s24  }
0xb5: {  	[dreg:$0x3] =	wrdreg s16  }
0xb6: {  	[dreg:$0x4] =	wrdreg $0x90000  }
0xb7: {  	[dreg:$0x5] =	wrdreg $0x9  }
0xb8: {  	_ =	task.clear_ibuf [dreg:s7], $0x6FFFF;
	_ =	strace $0x90000049  }
0xb9: {  	s29 =	simm.s32 $0x9;
	_ =	strace $0x8000004B  }
0xba: {  	_ =	swait.ge [sflag:s29], $0x1  }
0xbb: {  	[sflag:s29] =	ssyncadd.s32 $0xFFFFFFFF  }
0xbc: {  	_ =	strace $0x9000004B  }
0xbd: {  	_ =	sfence  }
0xbe: {  	s30 =	sld [smem:$0x0];
	_ =	sdelay $0x2  }
0xbf: {  	s31 =	sshll.u32 s1, $0xD;
	s1 =	sshrl.u32 s1, $0x2  }
0xc0: {  	s3 =	sand.u32 $0x4000, s31;
	s1 =	sadd.s32 s1, s30  }
0xc1: {  	s0 =	sor.u32 s3, s0;
	s1 =	sshll.u32 s1, $0x11  }
0xc2: {  	s0 =	sor.u32 s1, s0  }
0xc3: {  	s0 =	sadd.s32 $0x8F2B, s0  }
0xc4: {  	[sflag:s0] =	ssyncadd.remote.s32 $0x1  }
0xc5: {  	_ =	sfence.sel $0xFFFF  }
0xc6: {  	[dreg:$0x0] =	wrdreg $0xFFFFFFFF;
	(pc) =	sbr.abs _section_cstart, $3  }
0xc7: {  	[dreg:$0x1] =	wrdreg $0xFFFFFFFF  }
0xc8: {  	_ =	task.clear_ibuf [dreg:s7], $0x2FFFF;
	_ =	strace $0x9FFFFFFF  }
0xc9: {  	(tm) =	ssettm $0x7FFFFFFF  }
tec
execute0_lowered:
.L_overlay_start_1:
0x0: {  	(tag) =	ssettag $0x1  }
0x1: {  	s6 =	rddreg [dreg:$0x0]  }
0x2: {  	s9 =	rddreg [dreg:$0x1]  }
0x3: {  	s2 =	rddreg [dreg:$0x2]  }
0x4: {  	s1 =	stileid.u32;
	s0 =	rddreg [dreg:$0x3];
	s3 =	simm.s32 $0x0  }
0x5: {  	s4 =	srdreg.scid;
	s18 =	simm.s32 $0x1;
	s8 =	smul.u32 $0x2800, s1  }
0x6: {  	s19 =	simm.s32 $0x0;
	[smem:$0x7FF] =	sst s3;
	s13 =	smul.u32 $0x280, s1  }
0x7: {  	s7 =	sand.u32 $0x1, s4;
	s4 =	sadd.s32 $0x5AA00, s6;
	s15 =	smul.u32 $0x50000, s1  }
0x8: {  	s14 =	sadd.s32 $0xF6E00, s6;
	s31 =	sshll.u32 s1, $0x6;
	s11 =	smul.u32 $0x50000, s7  }
0x9: {  	s12 =	ssub.s32 $0x2, s7;
	s16 =	smul.u32 $0x5000, s7;
	s7 =	sshllo.u32 s7, $0x1  }
0xa: {  	_ =	strace $0x8000004A;
	s5 =	sshrl.u32 s8, $0x3;
	s26 =	smul.u32 $0x28000, s7  }
0xb: {  	s24 =	sshrl.u32 s12, $0x1;
	s15 =	sshrl.u32 s15, $0x2;
	s17 =	smul.u32 $0x2800, s7  }
0xc: {  	s10 =	sadd.s32 s5, s6;
	s5 =	sadd.s32 $0x2A00, s6;
	s12 =	ssub.s32 s12, s24  }
0xd: {  	s25 =	sadd.s32 s8, s11;
	s15 =	sadd.s32 s15, s2;
	s28 =	sadd.s32 s13, s16  }
0xe: {  	s16 =	simm.s32 $0x80;
	s6 =	sadd.s32 $0x55A00, s10;
	s10 =	sshrl.u32 s25, $0x3  }
0xf: {  	s11 =	sadd.s32 s8, s26;
	s13 =	sadd.s32 s13, s17;
	s15 =	sshrl.u32 s15, $0x3  }
0x10: {  	s17 =	simm.s32 $0x5000;
	s7 =	sadd.s32 s9, s10;
	s10 =	sshll.u32 s28, $0x4  }
0x11: {  	s29 =	sshrl.u32 s11, $0x3;
	s30 =	sshll.u32 s13, $0x4;
	s11 =	smax.u32 s12, $0x1  }
0x12: {  	s12 =	simm.s32 $0x2800;
	s13 =	simm.s32 $0x2;
	s8 =	sadd.s32 s14, s10  }
0x13: {  	s9 =	sadd.s32 s9, s29;
	s10 =	sadd.s32 s14, s30;
	s14 =	sor.u32 $0x1C02, s31  }
.LBB2_1:
0x14: {  	[tilespmem:s12], [sflag:$0x2] =	stream.linear.gather [hbm4b:s6+s3], $0x2780, $0x38;
	[tilespmem:$0x1D000] =	vst v63  }
0x15: {  	_ =	swait.ge [sflag:s13], $0x2780  }
0x16: {  	[sflag:s13] =	ssyncset.done $0x0  }
0x17: {  	[sflag:s13] =	ssyncadd.s32 $0xFFFFD880  }
0x18: {  	[tilespmem:s3], [sflag:$0x2] =	stream.linear.gather [hbm4b:s7+s3], $0x2780, $0x38;
	[tilespmem:$0x1D000] =	vst v63  }
0x19: {  	_ =	swait.ge [sflag:s13], $0x2780  }
0x1a: {  	[sflag:s13] =	ssyncset.done $0x0  }
0x1b: {  	[sflag:s13] =	ssyncadd.s32 $0xFFFFD880  }
0x1c: {  	[spmem:s15], [sflag:s14] =	dma.local [hbm:s5], $0x2800  }
0x1d: {  	_ =	swait.ge [sflag:s13], $0x2800  }
0x1e: {  	[sflag:s13] =	ssyncset.done $0x0  }
0x1f: {  	[sflag:s13] =	ssyncadd.s32 $0xFFFFD800  }
0x20: {  	s20 =	simm.s32 $0x0;
	[bflag:$0x0] =	sbarrier.arrive $0xFFFF  }
0x21: {  	[tilespmem:s17], [sflag:$0x1] =	stream.indirect.gather [hbm4b:s4+s16], $0x80, s20, s16, $0xb8;
	[tilespmem:$0x1D000] =	vst v63  }
0x22: {  	_ =	swait.ge [sflag:s18], $0x4000  }
0x23: {  	[sflag:s18] =	ssyncset.done $0x0  }
0x24: {  	s31 =	simm.s32 $0x2800;
	[sflag:s18] =	ssyncadd.s32 $0xFFFFC000  }
0x25: {  	[spmem:s2] =	stream.indirect.scatter.add.f32 [tilespmem:s17], [sflag:$0x2], $0x80, s31, s16, $0xb8;
	[tilespmem:$0x1D000] =	vst v63  }
0x26: {  	_ =	swait.ge [sflag:s13], $0x4000  }
0x27: {  	s21 =	simm.s32 $0x400;
	s20 =	simm.s32 $0x200;
	[sflag:s13] =	ssyncset.done $0x0  }
.LBB2_2:
0x28: {  	s22 =	sshra.s32 s20, $0x2  }
0x29: {  	[sflag:s13] =	ssyncadd.s32 $0xFFFFC000;
	s20 =	smov.u32 s21;
	s23 =	sadd.s32 $0x200, s21  }
0x2a: {  	[tilespmem:s17], [sflag:$0x1] =	stream.indirect.gather [hbm4b:s4+s16], $0x80, s22, s16, $0xb8;
	[tilespmem:$0x1D000] =	vst v63  }
0x2b: {  	p0 =	sne.s32 s21, $0x9C00;
	_ =	swait.ge [sflag:s18], $0x4000  }
.Ltmp0:
0x2c: {  	[sflag:s18] =	ssyncset.done $0x0;
	(pc) =	sbr.rel @p0 .LBB2_2-.Ltmp0, $4  }
0x2d: {  	s21 =	sadd.s32 $0x2800, s22;
	[sflag:s18] =	ssyncadd.s32 $0xFFFFC000  }
0x2e: {  	[spmem:s2] =	stream.indirect.scatter.add.f32 [tilespmem:s17], [sflag:$0x2], $0x80, s21, s16, $0xb8;
	[tilespmem:$0x1D000] =	vst v63  }
0x2f: {  	_ =	swait.ge [sflag:s13], $0x4000  }
0x30: {  	s21 =	smov.u32 s23;
	[sflag:s13] =	ssyncset.done $0x0  }
0x31: {  	s20 =	sshra.s32 s20, $0x2;
	[sflag:s13] =	ssyncadd.s32 $0xFFFFC000  }
0x32: {  	[tilespmem:s17], [sflag:$0x1] =	stream.indirect.gather [hbm4b:s4+s16], $0x80, s20, s16, $0xb8;
	[tilespmem:$0x1D000] =	vst v63  }
0x33: {  	_ =	swait.ge [sflag:s18], $0x4000  }
0x34: {  	[sflag:s18] =	ssyncset.done $0x0  }
0x35: {  	s20 =	sadd.s32 $0x2800, s20;
	[sflag:s18] =	ssyncadd.s32 $0xFFFFC000  }
0x36: {  	[spmem:s2] =	stream.indirect.scatter.add.f32 [tilespmem:s17], [sflag:$0x2], $0x80, s20, s16, $0xb8;
	[tilespmem:$0x1D000] =	vst v63  }
0x37: {  	_ =	swait.ge [sflag:s13], $0x4000  }
0x38: {  	[sflag:s13] =	ssyncset.done $0x0  }
0x39: {  	[sflag:s13] =	ssyncadd.s32 $0xFFFFC000  }
0x3a: {  	[bflag:$0x0] =	sbarrier.arrive $0xFFFF  }
0x3b: {  	[hbm:s8], [sflag:s14] =	dma.local [spmem:s15], $0x2800  }
0x3c: {  	_ =	swait.ge [sflag:s13], $0x2800  }
0x3d: {  	[sflag:s13] =	ssyncset.done $0x0  }
0x3e: {  	[sflag:s13] =	ssyncadd.s32 $0xFFFFD800  }
0x3f: {  	s29 =	simm.s32 $0x0;
	[bflag:$0x0] =	sbarrier.arrive $0xFFFF  }
0x40: {  	[tilespmem:s29], [sflag:$0x2] =	stream.linear.gather [hbm4b:s9+s29], $0x2780, $0x38;
	[tilespmem:$0x1D000] =	vst v63  }
0x41: {  	_ =	swait.ge [sflag:s13], $0x2780  }
0x42: {  	[sflag:s13] =	ssyncset.done $0x0  }
0x43: {  	[sflag:s13] =	ssyncadd.s32 $0xFFFFD880  }
0x44: {  	[spmem:s15], [sflag:s14] =	dma.local [hbm:s5], $0x2800  }
0x45: {  	_ =	swait.ge [sflag:s13], $0x2800  }
0x46: {  	[sflag:s13] =	ssyncset.done $0x0  }
0x47: {  	[sflag:s13] =	ssyncadd.s32 $0xFFFFD800  }
0x48: {  	s30 =	simm.s32 $0x0;
	[bflag:$0x0] =	sbarrier.arrive $0xFFFF  }
0x49: {  	[tilespmem:s17], [sflag:$0x1] =	stream.indirect.gather [hbm4b:s4+s16], $0x80, s30, s16, $0xb8;
	[tilespmem:$0x1D000] =	vst v63  }
0x4a: {  	_ =	swait.ge [sflag:s18], $0x4000  }
0x4b: {  	[sflag:s18] =	ssyncset.done $0x0  }
0x4c: {  	s31 =	simm.s32 $0x2800;
	[sflag:s18] =	ssyncadd.s32 $0xFFFFC000  }
0x4d: {  	[spmem:s2] =	stream.indirect.scatter.add.f32 [tilespmem:s17], [sflag:$0x2], $0x80, s31, s16, $0xb8;
	[tilespmem:$0x1D000] =	vst v63  }
0x4e: {  	_ =	swait.ge [sflag:s13], $0x4000  }
0x4f: {  	s21 =	simm.s32 $0x400;
	s20 =	simm.s32 $0x200;
	[sflag:s13] =	ssyncset.done $0x0  }
.LBB2_4:
0x50: {  	s22 =	sshra.s32 s20, $0x2  }
0x51: {  	[sflag:s13] =	ssyncadd.s32 $0xFFFFC000;
	s20 =	smov.u32 s21;
	s23 =	sadd.s32 $0x200, s21  }
0x52: {  	[tilespmem:s17], [sflag:$0x1] =	stream.indirect.gather [hbm4b:s4+s16], $0x80, s22, s16, $0xb8;
	[tilespmem:$0x1D000] =	vst v63  }
0x53: {  	p0 =	sne.s32 s21, $0x9C00;
	_ =	swait.ge [sflag:s18], $0x4000  }
.Ltmp1:
0x54: {  	[sflag:s18] =	ssyncset.done $0x0;
	(pc) =	sbr.rel @p0 .LBB2_4-.Ltmp1, $4  }
0x55: {  	s21 =	sadd.s32 $0x2800, s22;
	[sflag:s18] =	ssyncadd.s32 $0xFFFFC000  }
0x56: {  	[spmem:s2] =	stream.indirect.scatter.add.f32 [tilespmem:s17], [sflag:$0x2], $0x80, s21, s16, $0xb8;
	[tilespmem:$0x1D000] =	vst v63  }
0x57: {  	_ =	swait.ge [sflag:s13], $0x4000  }
0x58: {  	s21 =	smov.u32 s23;
	[sflag:s13] =	ssyncset.done $0x0  }
0x59: {  	s20 =	sshra.s32 s20, $0x2;
	[sflag:s13] =	ssyncadd.s32 $0xFFFFC000  }
0x5a: {  	[tilespmem:s17], [sflag:$0x1] =	stream.indirect.gather [hbm4b:s4+s16], $0x80, s20, s16, $0xb8;
	[tilespmem:$0x1D000] =	vst v63  }
0x5b: {  	_ =	swait.ge [sflag:s18], $0x4000  }
0x5c: {  	[sflag:s18] =	ssyncset.done $0x0  }
0x5d: {  	s20 =	sadd.s32 $0x2800, s20;
	[sflag:s18] =	ssyncadd.s32 $0xFFFFC000  }
0x5e: {  	[spmem:s2] =	stream.indirect.scatter.add.f32 [tilespmem:s17], [sflag:$0x2], $0x80, s20, s16, $0xb8;
	[tilespmem:$0x1D000] =	vst v63  }
0x5f: {  	_ =	swait.ge [sflag:s13], $0x4000  }
0x60: {  	s19 =	sadd.s32 $0x1, s19;
	[sflag:s13] =	ssyncset.done $0x0  }
0x61: {  	p0 =	sne.s32 s19, s11;
	[sflag:s13] =	ssyncadd.s32 $0xFFFFC000  }
.Ltmp2:
0x62: {  	[bflag:$0x0] =	sbarrier.arrive $0xFFFF;
	(pc) =	sbr.rel @p0 .LBB2_1-.Ltmp2, $4  }
0x63: {  	[hbm:s10], [sflag:s14] =	dma.local [spmem:s15], $0x2800  }
0x64: {  	_ =	swait.ge [sflag:s13], $0x2800  }
0x65: {  	[sflag:s13] =	ssyncset.done $0x0  }
0x66: {  	[sflag:s13] =	ssyncadd.s32 $0xFFFFD800  }
0x67: {  	_ =	sfence.sel $0x180000  }
0x68: {  	[bflag:$0x0] =	sbarrier.arrive $0xFFFF  }
0x69: {  	p0 =	sne.s32 s1, $0x0;
	_ =	strace $0x9000004A  }
0x6a: {  	s0 =	sadd.s32 @!p0 $0x100000, s0;
	[bflag:$0x2] =	sbarrier.arrive $0xFFFF  }
0x6b: {  	[sflag:s0] =	ssyncadd.tile.s32 @!p0 $0x1;
	_ =	shalt  }
.Lfunc_end2:
_tile_overlayer_lowered:
.L_overlay_start_2:
0x6c: {  	(tag) =	ssettag $0x2  }
0x6d: {  	s0 =	rddreg [dreg:$0x0];
	s2 =	stileid.u32  }
0x6e: {  	s1 =	rddreg [dreg:$0x1];
	p0 =	sne.s32 s2, $0x0  }
0x6f: {  	s3 =	rddreg [dreg:$0x2];
	[bflag:$0x3] =	sbarrier.arrive $0xFFFF;
	s2 =	simm.s32 @!p0 $0x1C02  }
0x70: {  	[timem:s3], [sflag:s2] =	dma.local @!p0 [hbm:s0], s1  }
0x71: {  	s0 =	simm.s32 @!p0 $0x2  }
0x72: {  	_ =	swait.ge @!p0 [sflag:s0], s1  }
0x73: {  	s1 =	ssub.s32 @!p0 $0x0, s1;
	[sflag:s0] =	ssyncset.done @!p0 $0x0  }
0x74: {  	[sflag:s0] =	ssyncadd.s32 @!p0 s1  }
0x75: {  	[bflag:$0x3] =	sbarrier.arrive $0xFFFF  }
0x76: {  	_ =	shalt  }

// kernel: kernel.14.cloned.1.call-start
scs
__scs_entry_jumppad:
0x0: {  	(pc) =	sbr.rel $0x88, $3  }
0x1: {  	(tag) =	ssettag $0x0;
	lr =	simm.s32 $0x1  }
0x2: {  	[smem:$0x3F9B] =	sst lr;
	_ =	strace $0xD0000000  }
0x3: {  	_ = 	snop  }
0x4: {  	_ = 	snop  }
0x5: {  	_ = 	snop  }
0x6: {  	_ = 	snop  }
0x7: {  	_ = 	snop  }
__scs_overlays_trampoline_lowered:
0x8: {  	[smem:$0x3FAA] =	sst s0  }
0x9: {  	[smem:$0x3FAB] =	sst s1  }
0xa: {  	[smem:$0x3FAC] =	sst s2  }
0xb: {  	[smem:$0x3FAD] =	sst s3  }
0xc: {  	[smem:$0x3FAE] =	sst s4  }
0xd: {  	[smem:$0x3FAF] =	sst s5  }
0xe: {  	[smem:$0x3FB0] =	sst s6  }
0xf: {  	[smem:$0x3FB1] =	sst s7  }
0x10: {  	[smem:$0x3FB2] =	sst s8  }
0x11: {  	[smem:$0x3FB3] =	sst s9;
	s0 =	simm.s32 @!p0 $0x0  }
0x12: {  	s1 =	sld [smem:$0x3F99];
	s0 =	simm.s32 @p0 $0x1  }
0x13: {  	[smem:$0x3FB4] =	sst s0;
	s0 =	simm.s32 @!p1 $0x0  }
0x14: {  	s2 =	sld [smem:$0x3F98];
	s0 =	simm.s32 @p1 $0x1  }
0x15: {  	[smem:$0x3FB5] =	sst s0;
	s0 =	simm.s32 @!p2 $0x0  }
0x16: {  	s3 =	sld [smem:$0x3FDB];
	s0 =	simm.s32 @p2 $0x1  }
0x17: {  	s4 =	simm.s32 $0x1BF5;
	[smem:$0x3FB7] =	sst s0  }
0x18: {  	s0 =	sld [smem:$0x3F9A];
	_ =	swait.ge [sflag:s4], $0x0  }
0x19: {  	s7 =	sld [smem:$0x3F9B]  }
0x1a: {  	s8 =	sadd.s32 $0xFFFFE003, lr  }
0x1b: {  	s9 =	sadd.s32 $0xFFFFFEF7, lr;
	s5 =	simm.s32 $0xFFFFFFFF;
	p2 =	slt.u32 s8, $0xFFFFF086  }
0x1c: {  	p1 =	slt.u32 s9, $0xF7A;
	s5 =	simm.s32 @!p2 $0x0  }
0x1d: {  	s5 =	simm.s32 @p1 $0x1;
	p0 =	seq.s32 s7, s2  }
0x1e: {  	s7 =	smul.u32 @!p0 $0xF7A, s2;
	p2 =	seq.s32 @!p0 s5, $0x0  }
0x1f: {  	s9 =	smul.u32 $0xF7A, s1;
	s8 =	simm.s32 @!p0 $0x1BF5;
	p2 =	por !p2, p0  }
0x20: {  	[sflag:s8] =	ssyncset.s32 @!p0 $0xFFFFF086;
	s6 =	sadd.s32 @!p0 s3, s7;
	s7 =	simm.s32 @!p0 $0x108  }
0x21: {  	s3 =	sadd.s32 s3, s9;
	s6 =	sadd.s32 @!p0 $0x88, s6;
	s7 =	simm.s32 @p2 $0x1082  }
0x22: {  	[simem:s7], [sflag:s8] =	dma.local @!p0 [hbm:s6], $0xF7A  }
0x23: {  	s9 =	sor.u32 $0xD0000000, s2;
	s6 =	simm.s32 $0x108;
	_ =	swait.ge @!p0 [sflag:s8], $0x0  }
0x24: {  	s3 =	sadd.s32 $0x88, s3;
	s6 =	simm.s32 @!p1 $0x1082;
	[sflag:s4] =	ssyncset.s32 $0xFFFFF086  }
0x25: {  	[simem:s6], [sflag:s4] =	dma.local [hbm:s3], $0xF7A  }
0x26: {  	[smem:$0x3F9B] =	sst s1;
	(tag) =	ssettag s2;
	_ =	strace s9  }
0x27: {  	s1 =	sld [smem:$0x3FAB]  }
0x28: {  	s2 =	sld [smem:$0x3FAC]  }
0x29: {  	s4 =	sld [smem:$0x3FAE]  }
0x2a: {  	p0 =	seq.s32 s5, $0x0;
	s5 =	sld [smem:$0x3FAF]  }
0x2b: {  	s6 =	sld [smem:$0x3FB0]  }
0x2c: {  	s7 =	sld [smem:$0x3FB1]  }
0x2d: {  	s3 =	simm.s32 $0x108;
	s8 =	sld [smem:$0x3FB2]  }
0x2e: {  	s3 =	simm.s32 @!p0 $0x1082;
	s9 =	sld [smem:$0x3FB3]  }
0x2f: {  	lr =	sadd.s32 s0, s3;
	s0 =	sld [smem:$0x3FAA]  }
0x30: {  	s3 =	sld [smem:$0x3FAD]  }
0x31: {  	[smem:$0x3FB6] =	sst s10  }
0x32: {  	s10 =	sld [smem:$0x3FB4];
	_ =	sdelay $0x3  }
0x33: {  	p0 =	seq.s32 s10, $0x1;
	s10 =	sld [smem:$0x3FB6];
	_ =	sdelay $0x3  }
0x34: {  	[smem:$0x3FB6] =	sst s10  }
0x35: {  	s10 =	sld [smem:$0x3FB5];
	_ =	sdelay $0x3  }
0x36: {  	p1 =	seq.s32 s10, $0x1;
	s10 =	sld [smem:$0x3FB6];
	_ =	sdelay $0x3  }
0x37: {  	[smem:$0x3FB6] =	sst s10  }
0x38: {  	s10 =	sld [smem:$0x3FB7]  }
0x39: {  	_ = 	snop;
	(pc) =	sbr.ind lr, $3  }
0x3a: {  	_ = 	snop  }
0x3b: {  	_ = 	snop  }
0x3c: {  	p2 =	seq.s32 s10, $0x1;
	s10 =	sld [smem:$0x3FB6]  }
0x3d: {  	_ =	shalt  }
0x3e: {  	_ =	shalt  }
0x3f: {  	_ =	shalt  }
0x40: {  	_ =	shalt  }
0x41: {  	_ =	shalt  }
0x42: {  	_ =	shalt  }
0x43: {  	_ =	shalt  }
0x44: {  	_ =	shalt  }
0x45: {  	_ =	shalt  }
0x46: {  	_ =	shalt  }
0x47: {  	_ =	shalt  }
0x48: {  	_ =	shalt  }
0x49: {  	_ =	shalt  }
0x4a: {  	_ =	shalt  }
0x4b: {  	_ =	shalt  }
0x4c: {  	_ =	shalt  }
0x4d: {  	_ =	shalt  }
0x4e: {  	_ =	shalt  }
0x4f: {  	_ =	shalt  }
0x50: {  	_ =	shalt  }
0x51: {  	_ =	shalt  }
0x52: {  	_ =	shalt  }
0x53: {  	_ =	shalt  }
0x54: {  	_ =	shalt  }
0x55: {  	_ =	shalt  }
0x56: {  	_ =	shalt  }
0x57: {  	_ =	shalt  }
0x58: {  	_ =	shalt  }
0x59: {  	_ =	shalt  }
0x5a: {  	_ =	shalt  }
0x5b: {  	_ =	shalt  }
0x5c: {  	_ =	shalt  }
0x5d: {  	_ =	shalt  }
0x5e: {  	_ =	shalt  }
0x5f: {  	_ =	shalt  }
0x60: {  	_ =	shalt  }
0x61: {  	_ =	shalt  }
0x62: {  	_ =	shalt  }
0x63: {  	_ =	shalt  }
0x64: {  	_ =	shalt  }
0x65: {  	_ =	shalt  }
0x66: {  	_ =	shalt  }
0x67: {  	_ =	shalt  }
0x68: {  	_ =	shalt  }
0x69: {  	_ =	shalt  }
0x6a: {  	_ =	shalt  }
0x6b: {  	_ =	shalt  }
0x6c: {  	_ =	shalt  }
0x6d: {  	_ =	shalt  }
0x6e: {  	_ =	shalt  }
0x6f: {  	_ =	shalt  }
0x70: {  	_ =	shalt  }
0x71: {  	_ =	shalt  }
0x72: {  	_ =	shalt  }
0x73: {  	_ =	shalt  }
0x74: {  	_ =	shalt  }
0x75: {  	_ =	shalt  }
0x76: {  	_ =	shalt  }
0x77: {  	_ =	shalt  }
0x78: {  	_ =	shalt  }
0x79: {  	_ =	shalt  }
0x7a: {  	_ =	shalt  }
0x7b: {  	_ =	shalt  }
0x7c: {  	_ =	shalt  }
0x7d: {  	_ =	shalt  }
0x7e: {  	_ =	shalt  }
0x7f: {  	_ =	shalt  }
0x80: {  	_ =	shalt  }
0x81: {  	_ =	shalt  }
0x82: {  	_ =	shalt  }
0x83: {  	_ =	shalt  }
0x84: {  	_ =	shalt  }
0x85: {  	_ =	shalt  }
0x86: {  	_ =	shalt  }
0x87: {  	_ =	shalt  }
.Lfunc_end0:
.L_simem_size_0:
called_computation.2_lowered:
.L_overlay_start_0:
0x88: {  	s2 =	sld [smem:$0x3FD9]  }
0x89: {  	s3 =	sld [smem:$0x3FFE];
	_ =	sdelay $0x1  }
0x8a: {  	s1 =	srdreg.scid  }
0x8b: {  	s0 =	sand.u32 $0x1, s1  }
0x8c: {  	s14 =	sshll.u32 s0, $0xA;
	s2 =	sadd.s32 s3, s2  }
0x8d: {  	s2 =	sadd.s32 s2, s14  }
0x8e: {  	[smem:$0x3FC2] =	sst s2  }
0x8f: {  	_ = 	snop  }
0x90: {  	s2 =	sld [smem:$0x3FD0];
	_ =	sdelay $0x2  }
0x91: {  	s15 =	simm.s32 $0xA;
	s4 =	simm.s32 $0x10  }
0x92: {  	[smem:s4], [sflag:s15] =	dma.local [hbm:s2], $0x1  }
0x93: {  	_ =	swait.eq [sflag:s15], $0x1  }
0x94: {  	[sflag:s15] =	ssyncset.done $0x0  }
0x95: {  	s16 =	sld [smem:$0x10];
	[sflag:s15] =	ssyncadd.s32 $0xFFFFFFFF  }
0x96: {  	s17 =	sld [smem:$0x11];
	(tm) =	ssettm $0x1  }
0x97: {  	s18 =	sld [smem:$0x3FFB];
	_ =	sdelay $0x3  }
0x98: {  	_ =	strace s18  }
0x99: {  	s4 =	sld [smem:$0x3FFC];
	_ =	sdelay $0x3  }
0x9a: {  	_ =	strace s4  }
0x9b: {  	s4 =	sld [smem:$0x3FFD];
	_ =	sdelay $0x3  }
0x9c: {  	_ =	strace s4  }
0x9d: {  	_ =	strace $0x8FFFFFFF  }
0x9e: {  	s19 =	sld [smem:$0x3FDB];
	_ =	sdelay $0x1  }
0x9f: {  	s5 =	simm.s32 $_scs_section_size  }
0xa0: {  	s6 =	simm.s32 $_size__tile_overlayer_lowered;
	s7 =	simm.s32 $_tile_overlayer_lowered  }
0xa1: {  	s22 =	simm.s32 $0x1BFF;
	s21 =	sshll.u32 s7, $0x1;
	s4 =	sadd.s32 s5, s19  }
0xa2: {  	s8 =	simm.s32 $0x0;
	s20 =	sshll.u32 s6, $0x1;
	s6 =	sadd.s32 s21, s4  }
0xa3: {  	[timem:s8], [sflag:s22] =	dma.local [hbm:s6], s20  }
0xa4: {  	_ =	swait.ge [sflag:s22], s20  }
0xa5: {  	s5 =	ssub.s32 $0x0, s20;
	[sflag:s22] =	ssyncset.done $0x0  }
0xa6: {  	[sflag:s22] =	ssyncadd.s32 s5;
	_ =	sdelay $0x1  }
0xa7: {  	s23 =	simm.s32 $0x1B8B  }
0xa8: {  	_ =	swait.ge [sflag:s23], $0x1  }
0xa9: {  	[sflag:s23] =	ssyncset.done $0x0  }
0xaa: {  	s25 =	simm.s32 $0x1B8E;
	s24 =	sld [smem:$0x3FFE];
	[sflag:s23] =	ssyncadd.s32 $0xFFFFFFFF  }
0xab: {  	s26 =	simm.s32 $execute0_lowered;
	[smem:$0x3FD2] =	sst s25  }
0xac: {  	s6 =	sshll.u32 s26, $0x1;
	_ =	strace $0x8000004C;
	[dreg:$0x1] =	wrdreg $0xFFFFFFFF  }
0xad: {  	s28 =	simm.s32 $_size_execute0_lowered;
	s4 =	sadd.s32 s4, s6;
	[dreg:$0x0] =	wrdreg $0x0  }
0xae: {  	s6 =	sshll.u32 s28, $0x1;
	[dreg:$0x2] =	wrdreg s4  }
0xaf: {  	[dreg:$0x3] =	wrdreg s6  }
0xb0: {  	[dreg:$0x4] =	wrdreg $0xC0  }
0xb1: {  	_ =	task [dreg:s8], $0x5FFFF  }
0xb2: {  	[dreg:$0x1] =	wrdreg $0xFFFFFFFF  }
0xb3: {  	[dreg:$0x0] =	wrdreg $0x60  }
0xb4: {  	[dreg:$0x2] =	wrdreg s17  }
0xb5: {  	[dreg:$0x3] =	wrdreg s16  }
0xb6: {  	[dreg:$0x4] =	wrdreg s24  }
0xb7: {  	[dreg:$0x5] =	wrdreg $0x90000  }
0xb8: {  	[dreg:$0x6] =	wrdreg $0x9  }
0xb9: {  	_ =	task.clear_ibuf [dreg:s8], $0x7FFFF;
	_ =	strace $0x9000004C  }
0xba: {  	s29 =	simm.s32 $0x9;
	_ =	strace $0x8000004E  }
0xbb: {  	_ =	swait.ge [sflag:s29], $0x1  }
0xbc: {  	[sflag:s29] =	ssyncadd.s32 $0xFFFFFFFF  }
0xbd: {  	_ =	strace $0x9000004E  }
0xbe: {  	_ =	sfence  }
0xbf: {  	s30 =	sld [smem:$0x0];
	_ =	sdelay $0x2  }
0xc0: {  	s31 =	sshll.u32 s1, $0xD;
	s1 =	sshrl.u32 s1, $0x2  }
0xc1: {  	s3 =	sand.u32 $0x4000, s31;
	s1 =	sadd.s32 s1, s30  }
0xc2: {  	s0 =	sor.u32 s3, s0;
	s1 =	sshll.u32 s1, $0x11  }
0xc3: {  	s0 =	sor.u32 s1, s0  }
0xc4: {  	s0 =	sadd.s32 $0x8F2B, s0  }
0xc5: {  	[sflag:s0] =	ssyncadd.remote.s32 $0x1  }
0xc6: {  	_ =	sfence.sel $0xFFFF  }
0xc7: {  	[dreg:$0x0] =	wrdreg $0xFFFFFFFF;
	(pc) =	sbr.abs _section_cstart, $3  }
0xc8: {  	[dreg:$0x1] =	wrdreg $0xFFFFFFFF  }
0xc9: {  	_ =	task.clear_ibuf [dreg:s8], $0x2FFFF;
	_ =	strace $0x9FFFFFFF  }
0xca: {  	(tm) =	ssettm $0x7FFFFFFF  }
0xcb: {  	_ =	shalt  }
tec
execute0_lowered:
.L_overlay_start_1:
0x0: {  	(tag) =	ssettag $0x1  }
0x1: {  	s1 =	rddreg [dreg:$0x0]  }
0x2: {  	s7 =	rddreg [dreg:$0x1]  }
0x3: {  	s6 =	rddreg [dreg:$0x2]  }
0x4: {  	s3 =	rddreg [dreg:$0x3]  }
0x5: {  	s0 =	rddreg [dreg:$0x4]  }
0x6: {  	s2 =	stileid.u32;
	s4 =	simm.s32 $0x0;
	s5 =	srdreg.scid  }
0x7: {  	s15 =	simm.s32 $0x5000;
	s16 =	simm.s32 $0x1;
	s17 =	simm.s32 $0x0  }
0x8: {  	s8 =	smul.u32 $0x2800, s2;
	[smem:$0x7FF] =	sst s4;
	s9 =	sand.u32 $0x1, s5  }
0x9: {  	s5 =	sadd.s32 $0x2A00, s6;
	s12 =	smul.u32 $0x50000, s2;
	s31 =	sshll.u32 s2, $0x6  }
0xa: {  	_ =	strace $0x8000004D;
	s10 =	smul.u32 $0x28000, s9;
	s9 =	ssub.s32 $0x2, s9  }
0xb: {  	s28 =	sshrl.u32 s8, $0x3;
	s29 =	sshrl.u32 s9, $0x1;
	s30 =	sshrl.u32 s12, $0x2  }
0xc: {  	s12 =	sor.u32 $0x1C02, s31;
	s11 =	sadd.s32 s28, s6;
	s8 =	sadd.s32 s8, s10  }
0xd: {  	s9 =	ssub.s32 s9, s29;
	s14 =	sadd.s32 s30, s3;
	s10 =	simm.s32 $0x2800  }
0xe: {  	s13 =	sadd.s32 s8, s6;
	s8 =	sshrl.u32 s8, $0x3;
	s6 =	sadd.s32 $0x55A00, s11  }
0xf: {  	s9 =	smax.u32 s9, $0x1;
	s11 =	simm.s32 $0x2;
	s7 =	sadd.s32 s7, s8  }
0x10: {  	s8 =	sadd.s32 $0x5AA00, s13;
	s13 =	sshrl.u32 s14, $0x3;
	s14 =	simm.s32 $0x80  }
.LBB2_1:
0x11: {  	[tilespmem:s10], [sflag:$0x2] =	stream.linear.gather [hbm4b:s6+s4], $0x2780, $0x38;
	[tilespmem:$0x1D000] =	vst v63  }
0x12: {  	_ =	swait.ge [sflag:s11], $0x2780  }
0x13: {  	[sflag:s11] =	ssyncset.done $0x0  }
0x14: {  	[sflag:s11] =	ssyncadd.s32 $0xFFFFD880  }
0x15: {  	[tilespmem:s4], [sflag:$0x2] =	stream.linear.gather [hbm4b:s7+s4], $0x2780, $0x38;
	[tilespmem:$0x1D000] =	vst v63  }
0x16: {  	_ =	swait.ge [sflag:s11], $0x2780  }
0x17: {  	[sflag:s11] =	ssyncset.done $0x0  }
0x18: {  	[sflag:s11] =	ssyncadd.s32 $0xFFFFD880  }
0x19: {  	[spmem:s13], [sflag:s12] =	dma.local [hbm:s5], $0x2800  }
0x1a: {  	_ =	swait.ge [sflag:s11], $0x2800  }
0x1b: {  	[sflag:s11] =	ssyncset.done $0x0  }
0x1c: {  	[sflag:s11] =	ssyncadd.s32 $0xFFFFD800  }
0x1d: {  	s18 =	simm.s32 $0x0;
	[bflag:$0x0] =	sbarrier.arrive $0xFFFF  }
0x1e: {  	[tilespmem:s15], [sflag:$0x1] =	stream.indirect.gather [hbm4b:s1+s14], $0x80, s18, s14, $0xb8;
	[tilespmem:$0x1D000] =	vst v63  }
0x1f: {  	_ =	swait.ge [sflag:s16], $0x4000  }
0x20: {  	[sflag:s16] =	ssyncset.done $0x0  }
0x21: {  	s31 =	simm.s32 $0x2800;
	[sflag:s16] =	ssyncadd.s32 $0xFFFFC000  }
0x22: {  	[spmem:s3] =	stream.indirect.scatter.add.f32 [tilespmem:s15], [sflag:$0x2], $0x80, s31, s14, $0xb8;
	[tilespmem:$0x1D000] =	vst v63  }
0x23: {  	_ =	swait.ge [sflag:s11], $0x4000  }
0x24: {  	s19 =	simm.s32 $0x400;
	s18 =	simm.s32 $0x200;
	[sflag:s11] =	ssyncset.done $0x0  }
.LBB2_2:
0x25: {  	s20 =	sshra.s32 s18, $0x2  }
0x26: {  	[sflag:s11] =	ssyncadd.s32 $0xFFFFC000;
	s18 =	smov.u32 s19;
	s21 =	sadd.s32 $0x200, s19  }
0x27: {  	[tilespmem:s15], [sflag:$0x1] =	stream.indirect.gather [hbm4b:s1+s14], $0x80, s20, s14, $0xb8;
	[tilespmem:$0x1D000] =	vst v63  }
0x28: {  	p0 =	sne.s32 s19, $0x9C00;
	_ =	swait.ge [sflag:s16], $0x4000  }
.Ltmp0:
0x29: {  	[sflag:s16] =	ssyncset.done $0x0;
	(pc) =	sbr.rel @p0 .LBB2_2-.Ltmp0, $4  }
0x2a: {  	s19 =	sadd.s32 $0x2800, s20;
	[sflag:s16] =	ssyncadd.s32 $0xFFFFC000  }
0x2b: {  	[spmem:s3] =	stream.indirect.scatter.add.f32 [tilespmem:s15], [sflag:$0x2], $0x80, s19, s14, $0xb8;
	[tilespmem:$0x1D000] =	vst v63  }
0x2c: {  	_ =	swait.ge [sflag:s11], $0x4000  }
0x2d: {  	s19 =	smov.u32 s21;
	[sflag:s11] =	ssyncset.done $0x0  }
0x2e: {  	s18 =	sshra.s32 s18, $0x2;
	[sflag:s11] =	ssyncadd.s32 $0xFFFFC000  }
0x2f: {  	[tilespmem:s15], [sflag:$0x1] =	stream.indirect.gather [hbm4b:s1+s14], $0x80, s18, s14, $0xb8;
	[tilespmem:$0x1D000] =	vst v63  }
0x30: {  	_ =	swait.ge [sflag:s16], $0x4000  }
0x31: {  	[sflag:s16] =	ssyncset.done $0x0  }
0x32: {  	s18 =	sadd.s32 $0x2800, s18;
	[sflag:s16] =	ssyncadd.s32 $0xFFFFC000  }
0x33: {  	[spmem:s3] =	stream.indirect.scatter.add.f32 [tilespmem:s15], [sflag:$0x2], $0x80, s18, s14, $0xb8;
	[tilespmem:$0x1D000] =	vst v63  }
0x34: {  	_ =	swait.ge [sflag:s11], $0x4000  }
0x35: {  	s17 =	sadd.s32 $0x1, s17;
	[sflag:s11] =	ssyncset.done $0x0  }
0x36: {  	p0 =	sne.s32 s17, s9;
	[sflag:s11] =	ssyncadd.s32 $0xFFFFC000  }
.Ltmp1:
0x37: {  	[bflag:$0x0] =	sbarrier.arrive $0xFFFF;
	(pc) =	sbr.rel @p0 .LBB2_1-.Ltmp1, $4  }
0x38: {  	[hbm:s8], [sflag:s12] =	dma.local [spmem:s13], $0x2800  }
0x39: {  	_ =	swait.ge [sflag:s11], $0x2800  }
0x3a: {  	[sflag:s11] =	ssyncset.done $0x0  }
0x3b: {  	[sflag:s11] =	ssyncadd.s32 $0xFFFFD800  }
0x3c: {  	_ =	sfence.sel $0x180000  }
0x3d: {  	[bflag:$0x0] =	sbarrier.arrive $0xFFFF  }
0x3e: {  	p0 =	sne.s32 s2, $0x0;
	_ =	strace $0x9000004D  }
0x3f: {  	s0 =	sadd.s32 @!p0 $0x100000, s0;
	[bflag:$0x2] =	sbarrier.arrive $0xFFFF  }
0x40: {  	[sflag:s0] =	ssyncadd.tile.s32 @!p0 $0x1;
	_ =	shalt  }
.Lfunc_end2:
_tile_overlayer_lowered:
.L_overlay_start_2:
0x41: {  	(tag) =	ssettag $0x2  }
0x42: {  	s0 =	rddreg [dreg:$0x0];
	s2 =	stileid.u32  }
0x43: {  	s1 =	rddreg [dreg:$0x1];
	p0 =	sne.s32 s2, $0x0  }
0x44: {  	s3 =	rddreg [dreg:$0x2];
	[bflag:$0x3] =	sbarrier.arrive $0xFFFF;
	s2 =	simm.s32 @!p0 $0x1C02  }
0x45: {  	[timem:s3], [sflag:s2] =	dma.local @!p0 [hbm:s0], s1  }
0x46: {  	s0 =	simm.s32 @!p0 $0x2  }
0x47: {  	_ =	swait.ge @!p0 [sflag:s0], s1  }
0x48: {  	s1 =	ssub.s32 @!p0 $0x0, s1;
	[sflag:s0] =	ssyncset.done @!p0 $0x0  }
0x49: {  	[sflag:s0] =	ssyncadd.s32 @!p0 s1  }
0x4a: {  	[bflag:$0x3] =	sbarrier.arrive $0xFFFF  }
0x4b: {  	_ =	shalt  }

// kernel: kernel.8.cloned.1.call-start
scs
__scs_entry_jumppad:
0x0: {  	(pc) =	sbr.rel $0x88, $3  }
0x1: {  	(tag) =	ssettag $0x0;
	lr =	simm.s32 $0x1  }
0x2: {  	[smem:$0x3F9B] =	sst lr;
	_ =	strace $0xD0000000  }
0x3: {  	_ = 	snop  }
0x4: {  	_ = 	snop  }
0x5: {  	_ = 	snop  }
0x6: {  	_ = 	snop  }
0x7: {  	_ = 	snop  }
__scs_overlays_trampoline_lowered:
0x8: {  	[smem:$0x3FAA] =	sst s0  }
0x9: {  	[smem:$0x3FAB] =	sst s1  }
0xa: {  	[smem:$0x3FAC] =	sst s2  }
0xb: {  	[smem:$0x3FAD] =	sst s3  }
0xc: {  	[smem:$0x3FAE] =	sst s4  }
0xd: {  	[smem:$0x3FAF] =	sst s5  }
0xe: {  	[smem:$0x3FB0] =	sst s6  }
0xf: {  	[smem:$0x3FB1] =	sst s7  }
0x10: {  	[smem:$0x3FB2] =	sst s8  }
0x11: {  	[smem:$0x3FB3] =	sst s9;
	s0 =	simm.s32 @!p0 $0x0  }
0x12: {  	s1 =	sld [smem:$0x3F99];
	s0 =	simm.s32 @p0 $0x1  }
0x13: {  	[smem:$0x3FB4] =	sst s0;
	s0 =	simm.s32 @!p1 $0x0  }
0x14: {  	s2 =	sld [smem:$0x3F98];
	s0 =	simm.s32 @p1 $0x1  }
0x15: {  	[smem:$0x3FB5] =	sst s0;
	s0 =	simm.s32 @!p2 $0x0  }
0x16: {  	s3 =	sld [smem:$0x3FDB];
	s0 =	simm.s32 @p2 $0x1  }
0x17: {  	s4 =	simm.s32 $0x1BF5;
	[smem:$0x3FB7] =	sst s0  }
0x18: {  	s0 =	sld [smem:$0x3F9A];
	_ =	swait.ge [sflag:s4], $0x0  }
0x19: {  	s7 =	sld [smem:$0x3F9B]  }
0x1a: {  	s8 =	sadd.s32 $0xFFFFE003, lr  }
0x1b: {  	s9 =	sadd.s32 $0xFFFFFEF7, lr;
	s5 =	simm.s32 $0xFFFFFFFF;
	p2 =	slt.u32 s8, $0xFFFFF086  }
0x1c: {  	p1 =	slt.u32 s9, $0xF7A;
	s5 =	simm.s32 @!p2 $0x0  }
0x1d: {  	s5 =	simm.s32 @p1 $0x1;
	p0 =	seq.s32 s7, s2  }
0x1e: {  	s7 =	smul.u32 @!p0 $0xF7A, s2;
	p2 =	seq.s32 @!p0 s5, $0x0  }
0x1f: {  	s9 =	smul.u32 $0xF7A, s1;
	s8 =	simm.s32 @!p0 $0x1BF5;
	p2 =	por !p2, p0  }
0x20: {  	[sflag:s8] =	ssyncset.s32 @!p0 $0xFFFFF086;
	s6 =	sadd.s32 @!p0 s3, s7;
	s7 =	simm.s32 @!p0 $0x108  }
0x21: {  	s3 =	sadd.s32 s3, s9;
	s6 =	sadd.s32 @!p0 $0x88, s6;
	s7 =	simm.s32 @p2 $0x1082  }
0x22: {  	[simem:s7], [sflag:s8] =	dma.local @!p0 [hbm:s6], $0xF7A  }
0x23: {  	s9 =	sor.u32 $0xD0000000, s2;
	s6 =	simm.s32 $0x108;
	_ =	swait.ge @!p0 [sflag:s8], $0x0  }
0x24: {  	s3 =	sadd.s32 $0x88, s3;
	s6 =	simm.s32 @!p1 $0x1082;
	[sflag:s4] =	ssyncset.s32 $0xFFFFF086  }
0x25: {  	[simem:s6], [sflag:s4] =	dma.local [hbm:s3], $0xF7A  }
0x26: {  	[smem:$0x3F9B] =	sst s1;
	(tag) =	ssettag s2;
	_ =	strace s9  }
0x27: {  	s1 =	sld [smem:$0x3FAB]  }
0x28: {  	s2 =	sld [smem:$0x3FAC]  }
0x29: {  	s4 =	sld [smem:$0x3FAE]  }
0x2a: {  	p0 =	seq.s32 s5, $0x0;
	s5 =	sld [smem:$0x3FAF]  }
0x2b: {  	s6 =	sld [smem:$0x3FB0]  }
0x2c: {  	s7 =	sld [smem:$0x3FB1]  }
0x2d: {  	s3 =	simm.s32 $0x108;
	s8 =	sld [smem:$0x3FB2]  }
0x2e: {  	s3 =	simm.s32 @!p0 $0x1082;
	s9 =	sld [smem:$0x3FB3]  }
0x2f: {  	lr =	sadd.s32 s0, s3;
	s0 =	sld [smem:$0x3FAA]  }
0x30: {  	s3 =	sld [smem:$0x3FAD]  }
0x31: {  	[smem:$0x3FB6] =	sst s10  }
0x32: {  	s10 =	sld [smem:$0x3FB4];
	_ =	sdelay $0x3  }
0x33: {  	p0 =	seq.s32 s10, $0x1;
	s10 =	sld [smem:$0x3FB6];
	_ =	sdelay $0x3  }
0x34: {  	[smem:$0x3FB6] =	sst s10  }
0x35: {  	s10 =	sld [smem:$0x3FB5];
	_ =	sdelay $0x3  }
0x36: {  	p1 =	seq.s32 s10, $0x1;
	s10 =	sld [smem:$0x3FB6];
	_ =	sdelay $0x3  }
0x37: {  	[smem:$0x3FB6] =	sst s10  }
0x38: {  	s10 =	sld [smem:$0x3FB7]  }
0x39: {  	_ = 	snop;
	(pc) =	sbr.ind lr, $3  }
0x3a: {  	_ = 	snop  }
0x3b: {  	_ = 	snop  }
0x3c: {  	p2 =	seq.s32 s10, $0x1;
	s10 =	sld [smem:$0x3FB6]  }
0x3d: {  	_ =	shalt  }
0x3e: {  	_ =	shalt  }
0x3f: {  	_ =	shalt  }
0x40: {  	_ =	shalt  }
0x41: {  	_ =	shalt  }
0x42: {  	_ =	shalt  }
0x43: {  	_ =	shalt  }
0x44: {  	_ =	shalt  }
0x45: {  	_ =	shalt  }
0x46: {  	_ =	shalt  }
0x47: {  	_ =	shalt  }
0x48: {  	_ =	shalt  }
0x49: {  	_ =	shalt  }
0x4a: {  	_ =	shalt  }
0x4b: {  	_ =	shalt  }
0x4c: {  	_ =	shalt  }
0x4d: {  	_ =	shalt  }
0x4e: {  	_ =	shalt  }
0x4f: {  	_ =	shalt  }
0x50: {  	_ =	shalt  }
0x51: {  	_ =	shalt  }
0x52: {  	_ =	shalt  }
0x53: {  	_ =	shalt  }
0x54: {  	_ =	shalt  }
0x55: {  	_ =	shalt  }
0x56: {  	_ =	shalt  }
0x57: {  	_ =	shalt  }
0x58: {  	_ =	shalt  }
0x59: {  	_ =	shalt  }
0x5a: {  	_ =	shalt  }
0x5b: {  	_ =	shalt  }
0x5c: {  	_ =	shalt  }
0x5d: {  	_ =	shalt  }
0x5e: {  	_ =	shalt  }
0x5f: {  	_ =	shalt  }
0x60: {  	_ =	shalt  }
0x61: {  	_ =	shalt  }
0x62: {  	_ =	shalt  }
0x63: {  	_ =	shalt  }
0x64: {  	_ =	shalt  }
0x65: {  	_ =	shalt  }
0x66: {  	_ =	shalt  }
0x67: {  	_ =	shalt  }
0x68: {  	_ =	shalt  }
0x69: {  	_ =	shalt  }
0x6a: {  	_ =	shalt  }
0x6b: {  	_ =	shalt  }
0x6c: {  	_ =	shalt  }
0x6d: {  	_ =	shalt  }
0x6e: {  	_ =	shalt  }
0x6f: {  	_ =	shalt  }
0x70: {  	_ =	shalt  }
0x71: {  	_ =	shalt  }
0x72: {  	_ =	shalt  }
0x73: {  	_ =	shalt  }
0x74: {  	_ =	shalt  }
0x75: {  	_ =	shalt  }
0x76: {  	_ =	shalt  }
0x77: {  	_ =	shalt  }
0x78: {  	_ =	shalt  }
0x79: {  	_ =	shalt  }
0x7a: {  	_ =	shalt  }
0x7b: {  	_ =	shalt  }
0x7c: {  	_ =	shalt  }
0x7d: {  	_ =	shalt  }
0x7e: {  	_ =	shalt  }
0x7f: {  	_ =	shalt  }
0x80: {  	_ =	shalt  }
0x81: {  	_ =	shalt  }
0x82: {  	_ =	shalt  }
0x83: {  	_ =	shalt  }
0x84: {  	_ =	shalt  }
0x85: {  	_ =	shalt  }
0x86: {  	_ =	shalt  }
0x87: {  	_ =	shalt  }
.Lfunc_end0:
.L_simem_size_0:
called_computation_lowered:
.L_overlay_start_0:
0x88: {  	s2 =	sld [smem:$0x3FD9]  }
0x89: {  	s3 =	sld [smem:$0x3FFE];
	_ =	sdelay $0x1  }
0x8a: {  	s1 =	srdreg.scid  }
0x8b: {  	s0 =	sand.u32 $0x1, s1  }
0x8c: {  	s14 =	sshll.u32 s0, $0xA;
	s2 =	sadd.s32 s3, s2  }
0x8d: {  	s2 =	sadd.s32 s2, s14  }
0x8e: {  	[smem:$0x3FC2] =	sst s2  }
0x8f: {  	_ = 	snop  }
0x90: {  	s2 =	sld [smem:$0x3FD0];
	_ =	sdelay $0x2  }
0x91: {  	s15 =	simm.s32 $0xA;
	s4 =	simm.s32 $0x10  }
0x92: {  	[smem:s4], [sflag:s15] =	dma.local [hbm:s2], $0x1  }
0x93: {  	_ =	swait.eq [sflag:s15], $0x1  }
0x94: {  	[sflag:s15] =	ssyncset.done $0x0  }
0x95: {  	[sflag:s15] =	ssyncadd.s32 $0xFFFFFFFF  }
0x96: {  	s16 =	sld [smem:$0x10];
	(tm) =	ssettm $0x1  }
0x97: {  	s17 =	sld [smem:$0x3FFB];
	_ =	sdelay $0x3  }
0x98: {  	_ =	strace s17  }
0x99: {  	s3 =	sld [smem:$0x3FFC];
	_ =	sdelay $0x3  }
0x9a: {  	_ =	strace s3  }
0x9b: {  	s3 =	sld [smem:$0x3FFD];
	_ =	sdelay $0x3  }
0x9c: {  	_ =	strace s3  }
0x9d: {  	_ =	strace $0x8FFFFFFF  }
0x9e: {  	s18 =	sld [smem:$0x3FDB];
	_ =	sdelay $0x1  }
0x9f: {  	s19 =	simm.s32 $_scs_section_size  }
0xa0: {  	s5 =	simm.s32 $_size__tile_overlayer_lowered;
	s6 =	simm.s32 $_tile_overlayer_lowered  }
0xa1: {  	s22 =	simm.s32 $0x1BFF;
	s21 =	sshll.u32 s6, $0x1;
	s3 =	sadd.s32 s19, s18  }
0xa2: {  	s7 =	simm.s32 $0x0;
	s20 =	sshll.u32 s5, $0x1;
	s5 =	sadd.s32 s21, s3  }
0xa3: {  	[timem:s7], [sflag:s22] =	dma.local [hbm:s5], s20  }
0xa4: {  	_ =	swait.ge [sflag:s22], s20  }
0xa5: {  	s4 =	ssub.s32 $0x0, s20;
	[sflag:s22] =	ssyncset.done $0x0  }
0xa6: {  	[sflag:s22] =	ssyncadd.s32 s4;
	_ =	sdelay $0x1  }
0xa7: {  	s23 =	simm.s32 $0x1B8B  }
0xa8: {  	_ =	swait.ge [sflag:s23], $0x1  }
0xa9: {  	[sflag:s23] =	ssyncset.done $0x0  }
0xaa: {  	s25 =	simm.s32 $0x1B8E;
	s24 =	sld [smem:$0x3FFE];
	[sflag:s23] =	ssyncadd.s32 $0xFFFFFFFF  }
0xab: {  	s26 =	simm.s32 $execute0_lowered;
	[smem:$0x3FD2] =	sst s25  }
0xac: {  	s5 =	sshll.u32 s26, $0x1;
	_ =	strace $0x80000046;
	[dreg:$0x1] =	wrdreg $0xFFFFFFFF  }
0xad: {  	s28 =	simm.s32 $_size_execute0_lowered;
	s3 =	sadd.s32 s3, s5;
	[dreg:$0x0] =	wrdreg $0x0  }
0xae: {  	s5 =	sshll.u32 s28, $0x1;
	[dreg:$0x2] =	wrdreg s3  }
0xaf: {  	[dreg:$0x3] =	wrdreg s5  }
0xb0: {  	[dreg:$0x4] =	wrdreg $0xC0  }
0xb1: {  	_ =	task [dreg:s7], $0x5FFFF  }
0xb2: {  	[dreg:$0x1] =	wrdreg $0xFFFFFFFF  }
0xb3: {  	[dreg:$0x0] =	wrdreg $0x60  }
0xb4: {  	[dreg:$0x2] =	wrdreg s16  }
0xb5: {  	[dreg:$0x3] =	wrdreg s24  }
0xb6: {  	[dreg:$0x4] =	wrdreg $0x54000  }
0xb7: {  	[dreg:$0x5] =	wrdreg $0x9  }
0xb8: {  	_ =	task.clear_ibuf [dreg:s7], $0x6FFFF;
	_ =	strace $0x90000046  }
0xb9: {  	s29 =	simm.s32 $0x9;
	_ =	strace $0x80000048  }
0xba: {  	_ =	swait.ge [sflag:s29], $0x1  }
0xbb: {  	[sflag:s29] =	ssyncadd.s32 $0xFFFFFFFF  }
0xbc: {  	_ =	strace $0x90000048  }
0xbd: {  	_ =	sfence  }
0xbe: {  	s30 =	sld [smem:$0x0];
	_ =	sdelay $0x2  }
0xbf: {  	s31 =	sshll.u32 s1, $0xD;
	s1 =	sshrl.u32 s1, $0x2  }
0xc0: {  	s3 =	sand.u32 $0x4000, s31;
	s1 =	sadd.s32 s1, s30  }
0xc1: {  	s0 =	sor.u32 s3, s0;
	s1 =	sshll.u32 s1, $0x11  }
0xc2: {  	s0 =	sor.u32 s1, s0  }
0xc3: {  	s0 =	sadd.s32 $0x8F2B, s0  }
0xc4: {  	[sflag:s0] =	ssyncadd.remote.s32 $0x1  }
0xc5: {  	_ =	sfence.sel $0xFFFF  }
0xc6: {  	[dreg:$0x0] =	wrdreg $0xFFFFFFFF;
	(pc) =	sbr.abs _section_cstart, $3  }
0xc7: {  	[dreg:$0x1] =	wrdreg $0xFFFFFFFF  }
0xc8: {  	_ =	task.clear_ibuf [dreg:s7], $0x2FFFF;
	_ =	strace $0x9FFFFFFF  }
0xc9: {  	(tm) =	ssettm $0x7FFFFFFF  }
tec
execute0_lowered:
.L_overlay_start_1:
0x0: {  	(tag) =	ssettag $0x1  }
0x1: {  	s6 =	rddreg [dreg:$0x0]  }
0x2: {  	s7 =	rddreg [dreg:$0x1];
	s2 =	srdreg.scid  }
0x3: {  	s1 =	rddreg [dreg:$0x2];
	s8 =	sand.u32 $0x1, s2  }
0x4: {  	s2 =	stileid.u32;
	s5 =	smul.u32 $0x140000, s8  }
0x5: {  	s0 =	rddreg [dreg:$0x3];
	s3 =	simm.s32 $0x0;
	s9 =	smul.u32 $0x14000, s2  }
0x6: {  	s13 =	simm.s32 $0x80;
	s14 =	simm.s32 $0x0;
	s10 =	smul.u32 $0x14000, s8  }
0x7: {  	[smem:$0x7FF] =	sst s3;
	s4 =	sadd.s32 $0x5200, s7;
	s11 =	smul.u32 $0x1400, s2  }
0x8: {  	_ =	strace $0x80000047;
	s12 =	smul.u32 $0x50000, s2;
	s8 =	ssub.s32 $0x2, s8  }
0x9: {  	s31 =	sshll.u32 s2, $0x6;
	s29 =	sshrl.u32 s8, $0x1;
	s9 =	sadd.s32 s9, s5  }
0xa: {  	s5 =	sadd.s32 $0x2A00, s7;
	s28 =	sadd.s32 s11, s10;
	s30 =	sshrl.u32 s12, $0x2  }
0xb: {  	s8 =	ssub.s32 s8, s29;
	s10 =	simm.s32 $0x1400;
	s11 =	sor.u32 $0x1C01, s31  }
0xc: {  	s9 =	sshrl.u32 s9, $0x3;
	s12 =	sadd.s32 s30, s1;
	s8 =	smax.u32 s8, $0x1  }
0xd: {  	s7 =	sadd.s32 s9, s7;
	s9 =	sshrl.u32 s28, $0x3;
	s12 =	sshrl.u32 s12, $0x3  }
0xe: {  	s6 =	sadd.s32 s6, s9;
	s7 =	sadd.s32 $0x5A00, s7;
	s9 =	simm.s32 $0x1  }
.LBB2_1:
0xf: {  	[tilespmem:s3], [sflag:$0x1] =	stream.linear.gather [hbm4b:s6+s3], $0x1400, $0x38;
	[tilespmem:$0x19400] =	vst v63  }
0x10: {  	_ =	swait.ge [sflag:s9], $0x1400  }
0x11: {  	[sflag:s9] =	ssyncset.done $0x0  }
0x12: {  	[sflag:s9] =	ssyncadd.s32 $0xFFFFEC00  }
0x13: {  	[tilespmem:s10], [sflag:$0x1] =	stream.linear.gather [hbm4b:s4+s3], $0x4000, $0x38;
	[tilespmem:$0x19400] =	vst v63  }
0x14: {  	_ =	swait.ge [sflag:s9], $0x4000  }
0x15: {  	[sflag:s9] =	ssyncset.done $0x0  }
0x16: {  	[sflag:s9] =	ssyncadd.s32 $0xFFFFC000  }
0x17: {  	[spmem:s12], [sflag:s11] =	dma.local [hbm:s5], $0x2800  }
0x18: {  	_ =	swait.ge [sflag:s9], $0x2800  }
0x19: {  	[sflag:s9] =	ssyncset.done $0x0  }
0x1a: {  	[sflag:s9] =	ssyncadd.s32 $0xFFFFD800  }
0x1b: {  	s15 =	simm.s32 $0x0;
	[bflag:$0x0] =	sbarrier.arrive $0xFFFF  }
0x1c: {  	[spmem:s1] =	stream.indirect.scatter.add.f32 [tilespmem:s10], [sflag:$0x1], $0x80, s15, s13, $0xb8;
	[tilespmem:$0x19400] =	vst v63  }
0x1d: {  	_ =	swait.ge [sflag:s9], $0x4000  }
0x1e: {  	s15 =	simm.s32 $0x200;
	[sflag:s9] =	ssyncset.done $0x0  }
.LBB2_2:
0x1f: {  	s16 =	sshra.s32 s15, $0x2;
	[sflag:s9] =	ssyncadd.s32 $0xFFFFC000;
	p0 =	sne.s32 s15, $0x4E00  }
0x20: {  	[spmem:s1] =	stream.indirect.scatter.add.f32 [tilespmem:s10], [sflag:$0x1], $0x80, s16, s13, $0xb8;
	[tilespmem:$0x19400] =	vst v63  }
.Ltmp0:
0x21: {  	_ = 	snop;
	(pc) =	sbr.rel @p0 .LBB2_2-.Ltmp0, $4  }
0x22: {  	_ = 	snop  }
0x23: {  	s15 =	sadd.s32 $0x200, s15  }
0x24: {  	_ =	swait.ge [sflag:s9], $0x4000  }
0x25: {  	[sflag:s9] =	ssyncset.done $0x0  }
0x26: {  	s14 =	sadd.s32 $0x1, s14  }
0x27: {  	[sflag:s9] =	ssyncadd.s32 $0xFFFFC000;
	p0 =	sne.s32 s14, s8  }
.Ltmp1:
0x28: {  	[bflag:$0x0] =	sbarrier.arrive $0xFFFF;
	(pc) =	sbr.rel @p0 .LBB2_1-.Ltmp1, $4  }
0x29: {  	[hbm:s7], [sflag:s11] =	dma.local [spmem:s12], $0x2800  }
0x2a: {  	_ =	swait.ge [sflag:s9], $0x2800  }
0x2b: {  	[sflag:s9] =	ssyncset.done $0x0  }
0x2c: {  	[sflag:s9] =	ssyncadd.s32 $0xFFFFD800  }
0x2d: {  	_ =	sfence.sel $0x180000  }
0x2e: {  	[bflag:$0x0] =	sbarrier.arrive $0xFFFF  }
0x2f: {  	p0 =	sne.s32 s2, $0x0;
	_ =	strace $0x90000047  }
0x30: {  	s0 =	sadd.s32 @!p0 $0x100000, s0;
	[bflag:$0x2] =	sbarrier.arrive $0xFFFF  }
0x31: {  	[sflag:s0] =	ssyncadd.tile.s32 @!p0 $0x1;
	_ =	shalt  }
.Lfunc_end2:
_tile_overlayer_lowered:
.L_overlay_start_2:
0x32: {  	(tag) =	ssettag $0x2  }
0x33: {  	s0 =	rddreg [dreg:$0x0];
	s2 =	stileid.u32  }
0x34: {  	s1 =	rddreg [dreg:$0x1];
	p0 =	sne.s32 s2, $0x0  }
0x35: {  	s3 =	rddreg [dreg:$0x2];
	[bflag:$0x3] =	sbarrier.arrive $0xFFFF;
	s2 =	simm.s32 @!p0 $0x1C01  }
0x36: {  	[timem:s3], [sflag:s2] =	dma.local @!p0 [hbm:s0], s1  }
0x37: {  	s0 =	simm.s32 @!p0 $0x1  }
0x38: {  	_ =	swait.ge @!p0 [sflag:s0], s1  }
0x39: {  	s1 =	ssub.s32 @!p0 $0x0, s1;
	[sflag:s0] =	ssyncset.done @!p0 $0x0  }
0x3a: {  	[sflag:s0] =	ssyncadd.s32 @!p0 s1  }
0x3b: {  	[bflag:$0x3] =	sbarrier.arrive $0xFFFF  }
0x3c: {  	_ =	shalt  }

</sc_bundles>
